<compile_context>
chip_gen: v7x
topology: tpu7x:2x2x1
jax: 0.10.2.dev20260603
libtpu: 0.0.44.dev20260713+nightly
codegen_flags: <defaults>
</compile_context>

<pallas_src>
import functools

import numpy as np
import jax
import jax.numpy as jnp
from jax import lax
from jax.experimental import pallas as pl
from jax.experimental.pallas import tpu as pltpu
from jax.experimental.pallas import tpu_sc as plsc

_B, _N, _K = 4, 4096, 10
_S = _K + 1
_R = 512
_RC = 1024

_NC, _NS = 2, 16
_NW = _NC * _NS
_TOT = _B * _N * _S
_PW = _TOT // _NW
_CH = 128
_NT = _PW // _CH
_GRP = 11


def _topk_body(pos_ref, posT_ref, idx_ref):
    b = pl.program_id(0)
    pos_r = pos_ref[0]
    posT = posT_ref[0]
    p2r = jnp.sum(pos_r * pos_r, axis=1, keepdims=True)
    p2c = jnp.sum(posT * posT, axis=0, keepdims=True)
    cross = jnp.dot(pos_r, posT, preferred_element_type=jnp.float32)
    d2 = p2r + p2c - 2.0 * cross
    colf = lax.broadcasted_iota(jnp.int32, d2.shape, 1).astype(jnp.float32)
    bigf = jnp.float32(_N)
    slots = []
    for _ in range(_S):
        m = jnp.min(d2, axis=1, keepdims=True)
        eq = d2 == m
        idx_t = jnp.min(jnp.where(eq, colf, bigf), axis=1, keepdims=True)
        slots.append(idx_t.astype(jnp.int32))
        d2 = jnp.where(eq, jnp.inf, d2)
    idx = jnp.concatenate(slots, axis=1)
    idx_ref[0] = idx + b * _N


def _topk_call(position, posT):
    return pl.pallas_call(
        _topk_body,
        grid=(_B, _N // _R),
        in_specs=[
            pl.BlockSpec((1, _R, 3), lambda b, r: (b, r, 0)),
            pl.BlockSpec((1, 3, _N), lambda b, r: (b, 0, 0)),
        ],
        out_specs=pl.BlockSpec((1, _R, _S), lambda b, r: (b, r, 0)),
        out_shape=jax.ShapeDtypeStruct((_B, _N, _S), jnp.int32),
    )(position, posT)


def _gather_body(table_ref, idx_ref, out_ref, idx_v, rows_v, sem):
    wid = lax.axis_index("s") * _NC + lax.axis_index("c")
    pltpu.sync_copy(idx_ref.at[wid], idx_v)

    def grp(gi, carry):
        handles = []
        for j in range(_GRP):
            tr = gi * _GRP + j
            cp = pltpu.async_copy(
                table_ref.at[idx_v.at[tr]],
                rows_v.at[pl.ds(tr * _CH, _CH)],
                sem,
            )
            handles.append(cp)
        for cp in handles:
            cp.wait()
        return carry

    lax.fori_loop(0, _NT // _GRP, grp, 0)
    pltpu.sync_copy(rows_v, out_ref.at[wid])


@functools.cache
def _gather_call():
    return functools.partial(
        pl.kernel,
        mesh=plsc.VectorSubcoreMesh(core_axis_name="c", subcore_axis_name="s",
                                    num_cores=_NC, num_subcores=_NS),
        out_type=jax.ShapeDtypeStruct((_NW, _PW, 8), jnp.float32),
        scratch_types=[
            pltpu.VMEM((_NT, _CH), jnp.int32),
            pltpu.VMEM((_PW, 8), jnp.float32),
            pltpu.SemaphoreType.DMA,
        ],
        compiler_params=pltpu.CompilerParams(use_tc_tiling_on_sc=False),
    )(_gather_body)


def _placement_matrices():
    P = np.zeros((8 * _S, 66), dtype=np.float32)
    for d in range(3):
        for t in range(1, _S):
            P[8 * t + d, 3 * (t - 1) + d] = 1.0
        for t in range(_S):
            P[8 * t + 3 + d, 30 + 3 * t + d] = 1.0
    R = np.zeros((3, 66), dtype=np.float32)
    Q3 = np.zeros((3, 6), dtype=np.float32)
    for d in range(3):
        for t in range(_K):
            R[d, 3 * t + d] = -1.0
        Q3[d, d] = 1.0
    return jnp.asarray(P), jnp.asarray(R), jnp.asarray(Q3)


def _mlp_body(g_ref, pos_ref, init_ref, W1_ref, W2_ref, W3_ref, b1_ref,
              b2_ref, b3_ref, P_ref, R_ref, Q3_ref, out_ref):
    f32 = jnp.float32
    hi = lax.Precision.HIGHEST
    W32 = jnp.dot(W3_ref[...], W2_ref[...], precision=hi,
                  preferred_element_type=f32)
    Weff = jnp.dot(W32, W1_ref[...], precision=hi,
                   preferred_element_type=f32)
    A = lax.dot_general(P_ref[...], Weff, (((1,), (1,)), ((), ())),
                        precision=hi, preferred_element_type=f32)
    C = lax.dot_general(R_ref[...], Weff, (((1,), (1,)), ((), ())),
                        precision=hi,
                        preferred_element_type=f32) + Q3_ref[...]
    beff = (lax.dot_general(b2_ref[...], W3_ref[...], (((1,), (1,)), ((), ())),
                            precision=hi, preferred_element_type=f32)
            + lax.dot_general(b1_ref[...], W32, (((1,), (1,)), ((), ())),
                              precision=hi, preferred_element_type=f32)
            + b3_ref[...])
    db = lax.dot_general(init_ref[0], Weff[:, 63:66],
                         (((1,), (1,)), ((), ())),
                         precision=hi, preferred_element_type=f32) + beff
    out_ref[0] = (jnp.dot(g_ref[0], A, precision=hi,
                          preferred_element_type=f32)
                  + jnp.dot(pos_ref[0], C, precision=hi,
                            preferred_element_type=f32) + db)


def _mlp_call(G, position, init3, W1, W2, W3, b1r, b2r, b3r, P, R, Q3):
    full = lambda shape: pl.BlockSpec(shape, lambda b, r: tuple(0 for _ in shape))
    return pl.pallas_call(
        _mlp_body,
        grid=(_B, _N // _RC),
        in_specs=[
            pl.BlockSpec((1, _RC, 8 * _S), lambda b, r: (b, r, 0)),
            pl.BlockSpec((1, _RC, 3), lambda b, r: (b, r, 0)),
            pl.BlockSpec((1, 1, 3), lambda b, r: (b, 0, 0)),
            full(W1.shape), full(W2.shape), full(W3.shape),
            full(b1r.shape), full(b2r.shape), full(b3r.shape),
            full(P.shape), full(R.shape), full(Q3.shape),
        ],
        out_specs=pl.BlockSpec((1, _RC, 6), lambda b, r: (b, r, 0)),
        out_shape=jax.ShapeDtypeStruct((_B, _N, 6), jnp.float32),
    )(G, position, init3, W1, W2, W3, b1r, b2r, b3r, P, R, Q3)


@jax.jit
def kernel(position, velocity, init, W1, b1, W2, b2, W3, b3):
    posT = jnp.swapaxes(position, 1, 2)
    idx = _topk_call(position, posT)
    idx3 = idx.reshape(_NW, _NT, _CH)

    table = jnp.concatenate(
        [position, velocity, jnp.zeros((_B, _N, 2), jnp.float32)], axis=-1
    ).reshape(_B * _N, 8)
    G = _gather_call()(table, idx3).reshape(_B, _N, 8 * _S)

    P, R, Q3 = _placement_matrices()
    return _mlp_call(G, position, init.reshape(_B, 1, 3), W1, W2, W3,
                     b1.reshape(1, -1), b2.reshape(1, -1), b3.reshape(1, -1),
                     P, R, Q3)

# --- scband reference (transcript-rebuilt; emitter-appended) ---
"""Pipeline reference for scband-state-predictor-36086315221639 (READ-ONLY COPY).

The authoritative reference and input builder live on the scoring server;
editing this copy changes nothing except your own understanding.
"""

import jax, jax.numpy as jnp
import numpy as np

B, N, K, LEN_INIT = 4, 4096, 10, 3
LEN_INPUT = 3 * (K + 1) + 3 * K + LEN_INIT  # 66


def setup_inputs(seed: int = 0) -> dict:
    key = jax.random.key(seed)
    ks = jax.random.split(key, 9)
    position = jax.random.normal(ks[0], (B, N, 3), dtype=jnp.float32)
    velocity = jax.random.normal(ks[1], (B, N, 3), dtype=jnp.float32)
    init = jax.random.normal(ks[2], (B, LEN_INIT), dtype=jnp.float32)
    W1 = jax.random.normal(ks[3], (32, LEN_INPUT), dtype=jnp.float32) * 0.1
    b1 = jax.random.normal(ks[4], (32,), dtype=jnp.float32) * 0.01
    W2 = jax.random.normal(ks[5], (16, 32), dtype=jnp.float32) * 0.1
    b2 = jax.random.normal(ks[6], (16,), dtype=jnp.float32) * 0.01
    W3 = jax.random.normal(ks[7], (6, 16), dtype=jnp.float32) * 0.1
    b3 = jax.random.normal(ks[8], (6,), dtype=jnp.float32) * 0.01
    return {"position": position, "velocity": velocity, "init": init,
            "W1": W1, "b1": b1, "W2": W2, "b2": b2, "W3": W3, "b3": b3}


def reference(position, velocity, init, W1, b1, W2, b2, W3, b3):
    Bc, Nc, _ = position.shape
    k = K
    # squared euclidean pairwise distances (same neighbor ordering as cdist)
    p2 = jnp.sum(position * position, axis=-1)  # [B, N]
    d2 = p2[:, :, None] + p2[:, None, :] - 2.0 * jnp.einsum('bnd,bmd->bnm', position, position)
    # k+1 smallest distances (self included), sorted ascending
    _, nn_indices = jax.lax.top_k(-d2, k + 1)  # [B, N, k+1]
    gather_b = jax.vmap(lambda arr, idx: arr[idx])  # arr [N,3], idx [N,*] -> [N,*,3]
    velocity_nn = gather_b(velocity, nn_indices)            # [B, N, k+1, 3]
    position_nn = gather_b(position, nn_indices[:, :, 1:])  # [B, N, k, 3]
    position_nn_offset = position_nn - position[:, :, None, :]
    current_state = jnp.concatenate([
        position_nn_offset.reshape(Bc, Nc, -1),
        velocity_nn.reshape(Bc, Nc, -1),
        jnp.broadcast_to(init[:, None, :], (Bc, Nc, init.shape[-1])),
    ], axis=2)
    flat = current_state.reshape(-1, current_state.shape[-1])
    h = flat @ W1.T + b1
    h = h @ W2.T + b2
    pred = h @ W3.T + b3
    pred = pred.reshape(Bc, Nc, 6)
    pred = pred.at[:, :, :3].add(position)
    return pred

if __name__ == "__main__":
    import jax
    _d = setup_inputs()
    print(jax.jit(kernel)(*tuple(_d.values())))

</pallas_src>

<mosaic_0001>
#map = affine_map<(d0, d1) -> (0, 0)>
#map1 = affine_map<(d0, d1) -> (0, 0, 0)>
module attributes {stable_mosaic.version = 14 : i64} {
  func.func @_gather_body(%arg0: i32, %arg1: i32, %arg2: memref<16384x8xf32, #tpu.memory_space<hbm>>, %arg3: memref<32x44x128xi32, #tpu.memory_space<hbm>>, %arg4: memref<32x5632x8xf32, #tpu.memory_space<hbm>>, %arg5: memref<44x128xi32, #tpu.memory_space<vmem>>, %arg6: memref<5632x8xf32, #tpu.memory_space<vmem>>, %arg7: memref<!tpu.dma_semaphore, #tpu.memory_space<semaphore_mem>>) attributes {dimension_semantics = [#tpu.dimension_semantics<core_parallel>, #tpu.dimension_semantics<subcore_parallel>], iteration_bounds = array<i64: 2, 16>, scalar_prefetch = 0 : i64, scratch_operands = 3 : i64, tpu.core_type = #tpu.core_type<sc_vector_subcore>, window_params = [{transform_indices = #map}, {transform_indices = #map1}, {transform_indices = #map1}]} {
    %mul3A = arith.constant 2 : i32
    %mul3A_0 = arith.muli %arg1, %mul3A : i32
    %add3A = arith.addi %mul3A_0, %arg0 : i32
    "tpu.region"() ({
      %run_scoped3A = tpu.sem_alloc : memref<!tpu.dma_semaphore, #tpu.memory_space<semaphore_mem>>
      %dma_start3A = arith.constant 0 : i32
      %dma_start3A_6 = arith.constant 0 : i32
      %dma_start3A_7 = tpu.memref_slice %arg3[%add3A, %dma_start3A, %dma_start3A_6] : memref<32x44x128xi32, #tpu.memory_space<hbm>> -> memref<1x44x128xi32, #tpu.memory_space<hbm>>
      %dma_start3A_8 = tpu.memref_squeeze %dma_start3A_7 : memref<1x44x128xi32, #tpu.memory_space<hbm>> -> memref<44x128xi32, #tpu.memory_space<hbm>>
      %dma_start3A_9 = arith.constant 0 : i32
      %dma_start3A_10 = arith.constant 0 : i32
      %dma_start3A_11 = tpu.memref_slice %arg3[%add3A, %dma_start3A_9, %dma_start3A_10] : memref<32x44x128xi32, #tpu.memory_space<hbm>> -> memref<1x44x128xi32, #tpu.memory_space<hbm>>
      %dma_start3A_12 = tpu.memref_squeeze %dma_start3A_11 : memref<1x44x128xi32, #tpu.memory_space<hbm>> -> memref<44x128xi32, #tpu.memory_space<hbm>>
      tpu.enqueue_dma source(%dma_start3A_12 : memref<44x128xi32, #tpu.memory_space<hbm>>) target(%arg5 : memref<44x128xi32, #tpu.memory_space<vmem>>) target_semaphore(%run_scoped3A : memref<!tpu.dma_semaphore, #tpu.memory_space<semaphore_mem>>)
      %dma_wait3A = arith.constant 0 : i32
      %dma_wait3A_13 = arith.constant 0 : i32
      %dma_wait3A_14 = tpu.memref_slice %arg3[%add3A, %dma_wait3A, %dma_wait3A_13] : memref<32x44x128xi32, #tpu.memory_space<hbm>> -> memref<1x44x128xi32, #tpu.memory_space<hbm>>
      %dma_wait3A_15 = tpu.memref_squeeze %dma_wait3A_14 : memref<1x44x128xi32, #tpu.memory_space<hbm>> -> memref<44x128xi32, #tpu.memory_space<hbm>>
      %dma_wait3A_16 = arith.constant 0 : i32
      %dma_wait3A_17 = arith.constant 0 : i32
      %dma_wait3A_18 = tpu.memref_slice %arg3[%add3A, %dma_wait3A_16, %dma_wait3A_17] : memref<32x44x128xi32, #tpu.memory_space<hbm>> -> memref<1x44x128xi32, #tpu.memory_space<hbm>>
      %dma_wait3A_19 = tpu.memref_squeeze %dma_wait3A_18 : memref<1x44x128xi32, #tpu.memory_space<hbm>> -> memref<44x128xi32, #tpu.memory_space<hbm>>
      tpu.wait_dma2 semaphore(%run_scoped3A : memref<!tpu.dma_semaphore, #tpu.memory_space<semaphore_mem>>) src(%dma_wait3A_19 : memref<44x128xi32, #tpu.memory_space<hbm>>) dst(%arg5 : memref<44x128xi32, #tpu.memory_space<vmem>>)
      tpu.yield
    }) : () -> ()
    %scan3A = arith.constant 0 : i32
    %scan3A_1 = arith.constant 0 : i32
    %scan3A_2 = arith.constant 4 : i32
    %scan3A_3 = arith.addi %scan3A_1, %scan3A_2 : i32
    %scan3A_4 = arith.constant 1 : i32
    scf.for %scan3A_6 = %scan3A_1 to %scan3A_3 step %scan3A_4  : i32 {
      %mul3A_7 = arith.constant 11 : i32
      %mul3A_8 = arith.muli %scan3A_6, %mul3A_7 : i32
      %add3A_9 = arith.constant 0 : i32
      %add3A_10 = arith.addi %mul3A_8, %add3A_9 : i32
      %mul3A_11 = arith.constant 128 : i32
      %mul3A_12 = arith.muli %add3A_10, %mul3A_11 : i32
      %dma_start3A = arith.constant 0 : i32
      %dma_start3A_13 = tpu.memref_slice %arg6[%mul3A_12, %dma_start3A] : memref<5632x8xf32, #tpu.memory_space<vmem>> -> memref<128x8xf32, #tpu.memory_space<vmem>>
      %dma_start3A_14 = arith.constant 0 : i32
      %dma_start3A_15 = tpu.memref_slice %arg5[%add3A_10, %dma_start3A_14] : memref<44x128xi32, #tpu.memory_space<vmem>> -> memref<1x128xi32, #tpu.memory_space<vmem>>
      %dma_start3A_16 = tpu.memref_squeeze %dma_start3A_15 : memref<1x128xi32, #tpu.memory_space<vmem>> -> memref<128xi32, #tpu.memory_space<vmem>>
      %dma_start3A_17 = arith.constant 0 : i32
      %dma_start3A_18 = arith.constant 0 : i32
      %dma_start3A_19 = tpu.memref_slice %arg2[%dma_start3A_17, %dma_start3A_18] : memref<16384x8xf32, #tpu.memory_space<hbm>> -> memref<16384x8xf32, #tpu.memory_space<hbm>>
      tpu.enqueue_indirect_dma source(%dma_start3A_19 : memref<16384x8xf32, #tpu.memory_space<hbm>>) target(%dma_start3A_13 : memref<128x8xf32, #tpu.memory_space<vmem>>) offsets(%dma_start3A_16 : memref<128xi32, #tpu.memory_space<vmem>>) semaphore(%arg7 : memref<!tpu.dma_semaphore, #tpu.memory_space<semaphore_mem>>)
      %mul3A_20 = arith.constant 11 : i32
      %mul3A_21 = arith.muli %scan3A_6, %mul3A_20 : i32
      %add3A_22 = arith.constant 1 : i32
      %add3A_23 = arith.addi %mul3A_21, %add3A_22 : i32
      %mul3A_24 = arith.constant 128 : i32
      %mul3A_25 = arith.muli %add3A_23, %mul3A_24 : i32
      %dma_start3A_26 = arith.constant 0 : i32
      %dma_start3A_27 = tpu.memref_slice %arg6[%mul3A_25, %dma_start3A_26] : memref<5632x8xf32, #tpu.memory_space<vmem>> -> memref<128x8xf32, #tpu.memory_space<vmem>>
      %dma_start3A_28 = arith.constant 0 : i32
      %dma_start3A_29 = tpu.memref_slice %arg5[%add3A_23, %dma_start3A_28] : memref<44x128xi32, #tpu.memory_space<vmem>> -> memref<1x128xi32, #tpu.memory_space<vmem>>
      %dma_start3A_30 = tpu.memref_squeeze %dma_start3A_29 : memref<1x128xi32, #tpu.memory_space<vmem>> -> memref<128xi32, #tpu.memory_space<vmem>>
      %dma_start3A_31 = arith.constant 0 : i32
      %dma_start3A_32 = arith.constant 0 : i32
      %dma_start3A_33 = tpu.memref_slice %arg2[%dma_start3A_31, %dma_start3A_32] : memref<16384x8xf32, #tpu.memory_space<hbm>> -> memref<16384x8xf32, #tpu.memory_space<hbm>>
      tpu.enqueue_indirect_dma source(%dma_start3A_33 : memref<16384x8xf32, #tpu.memory_space<hbm>>) target(%dma_start3A_27 : memref<128x8xf32, #tpu.memory_space<vmem>>) offsets(%dma_start3A_30 : memref<128xi32, #tpu.memory_space<vmem>>) semaphore(%arg7 : memref<!tpu.dma_semaphore, #tpu.memory_space<semaphore_mem>>)
      %mul3A_34 = arith.constant 11 : i32
      %mul3A_35 = arith.muli %scan3A_6, %mul3A_34 : i32
      %add3A_36 = arith.constant 2 : i32
      %add3A_37 = arith.addi %mul3A_35, %add3A_36 : i32
      %mul3A_38 = arith.constant 128 : i32
      %mul3A_39 = arith.muli %add3A_37, %mul3A_38 : i32
      %dma_start3A_40 = arith.constant 0 : i32
      %dma_start3A_41 = tpu.memref_slice %arg6[%mul3A_39, %dma_start3A_40] : memref<5632x8xf32, #tpu.memory_space<vmem>> -> memref<128x8xf32, #tpu.memory_space<vmem>>
      %dma_start3A_42 = arith.constant 0 : i32
      %dma_start3A_43 = tpu.memref_slice %arg5[%add3A_37, %dma_start3A_42] : memref<44x128xi32, #tpu.memory_space<vmem>> -> memref<1x128xi32, #tpu.memory_space<vmem>>
      %dma_start3A_44 = tpu.memref_squeeze %dma_start3A_43 : memref<1x128xi32, #tpu.memory_space<vmem>> -> memref<128xi32, #tpu.memory_space<vmem>>
      %dma_start3A_45 = arith.constant 0 : i32
      %dma_start3A_46 = arith.constant 0 : i32
      %dma_start3A_47 = tpu.memref_slice %arg2[%dma_start3A_45, %dma_start3A_46] : memref<16384x8xf32, #tpu.memory_space<hbm>> -> memref<16384x8xf32, #tpu.memory_space<hbm>>
      tpu.enqueue_indirect_dma source(%dma_start3A_47 : memref<16384x8xf32, #tpu.memory_space<hbm>>) target(%dma_start3A_41 : memref<128x8xf32, #tpu.memory_space<vmem>>) offsets(%dma_start3A_44 : memref<128xi32, #tpu.memory_space<vmem>>) semaphore(%arg7 : memref<!tpu.dma_semaphore, #tpu.memory_space<semaphore_mem>>)
      %mul3A_48 = arith.constant 11 : i32
      %mul3A_49 = arith.muli %scan3A_6, %mul3A_48 : i32
      %add3A_50 = arith.constant 3 : i32
      %add3A_51 = arith.addi %mul3A_49, %add3A_50 : i32
      %mul3A_52 = arith.constant 128 : i32
      %mul3A_53 = arith.muli %add3A_51, %mul3A_52 : i32
      %dma_start3A_54 = arith.constant 0 : i32
      %dma_start3A_55 = tpu.memref_slice %arg6[%mul3A_53, %dma_start3A_54] : memref<5632x8xf32, #tpu.memory_space<vmem>> -> memref<128x8xf32, #tpu.memory_space<vmem>>
      %dma_start3A_56 = arith.constant 0 : i32
      %dma_start3A_57 = tpu.memref_slice %arg5[%add3A_51, %dma_start3A_56] : memref<44x128xi32, #tpu.memory_space<vmem>> -> memref<1x128xi32, #tpu.memory_space<vmem>>
      %dma_start3A_58 = tpu.memref_squeeze %dma_start3A_57 : memref<1x128xi32, #tpu.memory_space<vmem>> -> memref<128xi32, #tpu.memory_space<vmem>>
      %dma_start3A_59 = arith.constant 0 : i32
      %dma_start3A_60 = arith.constant 0 : i32
      %dma_start3A_61 = tpu.memref_slice %arg2[%dma_start3A_59, %dma_start3A_60] : memref<16384x8xf32, #tpu.memory_space<hbm>> -> memref<16384x8xf32, #tpu.memory_space<hbm>>
      tpu.enqueue_indirect_dma source(%dma_start3A_61 : memref<16384x8xf32, #tpu.memory_space<hbm>>) target(%dma_start3A_55 : memref<128x8xf32, #tpu.memory_space<vmem>>) offsets(%dma_start3A_58 : memref<128xi32, #tpu.memory_space<vmem>>) semaphore(%arg7 : memref<!tpu.dma_semaphore, #tpu.memory_space<semaphore_mem>>)
      %mul3A_62 = arith.constant 11 : i32
      %mul3A_63 = arith.muli %scan3A_6, %mul3A_62 : i32
      %add3A_64 = arith.constant 4 : i32
      %add3A_65 = arith.addi %mul3A_63, %add3A_64 : i32
      %mul3A_66 = arith.constant 128 : i32
      %mul3A_67 = arith.muli %add3A_65, %mul3A_66 : i32
      %dma_start3A_68 = arith.constant 0 : i32
      %dma_start3A_69 = tpu.memref_slice %arg6[%mul3A_67, %dma_start3A_68] : memref<5632x8xf32, #tpu.memory_space<vmem>> -> memref<128x8xf32, #tpu.memory_space<vmem>>
      %dma_start3A_70 = arith.constant 0 : i32
      %dma_start3A_71 = tpu.memref_slice %arg5[%add3A_65, %dma_start3A_70] : memref<44x128xi32, #tpu.memory_space<vmem>> -> memref<1x128xi32, #tpu.memory_space<vmem>>
      %dma_start3A_72 = tpu.memref_squeeze %dma_start3A_71 : memref<1x128xi32, #tpu.memory_space<vmem>> -> memref<128xi32, #tpu.memory_space<vmem>>
      %dma_start3A_73 = arith.constant 0 : i32
      %dma_start3A_74 = arith.constant 0 : i32
      %dma_start3A_75 = tpu.memref_slice %arg2[%dma_start3A_73, %dma_start3A_74] : memref<16384x8xf32, #tpu.memory_space<hbm>> -> memref<16384x8xf32, #tpu.memory_space<hbm>>
      tpu.enqueue_indirect_dma source(%dma_start3A_75 : memref<16384x8xf32, #tpu.memory_space<hbm>>) target(%dma_start3A_69 : memref<128x8xf32, #tpu.memory_space<vmem>>) offsets(%dma_start3A_72 : memref<128xi32, #tpu.memory_space<vmem>>) semaphore(%arg7 : memref<!tpu.dma_semaphore, #tpu.memory_space<semaphore_mem>>)
      %mul3A_76 = arith.constant 11 : i32
      %mul3A_77 = arith.muli %scan3A_6, %mul3A_76 : i32
      %add3A_78 = arith.constant 5 : i32
      %add3A_79 = arith.addi %mul3A_77, %add3A_78 : i32
      %mul3A_80 = arith.constant 128 : i32
      %mul3A_81 = arith.muli %add3A_79, %mul3A_80 : i32
      %dma_start3A_82 = arith.constant 0 : i32
      %dma_start3A_83 = tpu.memref_slice %arg6[%mul3A_81, %dma_start3A_82] : memref<5632x8xf32, #tpu.memory_space<vmem>> -> memref<128x8xf32, #tpu.memory_space<vmem>>
      %dma_start3A_84 = arith.constant 0 : i32
      %dma_start3A_85 = tpu.memref_slice %arg5[%add3A_79, %dma_start3A_84] : memref<44x128xi32, #tpu.memory_space<vmem>> -> memref<1x128xi32, #tpu.memory_space<vmem>>
      %dma_start3A_86 = tpu.memref_squeeze %dma_start3A_85 : memref<1x128xi32, #tpu.memory_space<vmem>> -> memref<128xi32, #tpu.memory_space<vmem>>
      %dma_start3A_87 = arith.constant 0 : i32
      %dma_start3A_88 = arith.constant 0 : i32
      %dma_start3A_89 = tpu.memref_slice %arg2[%dma_start3A_87, %dma_start3A_88] : memref<16384x8xf32, #tpu.memory_space<hbm>> -> memref<16384x8xf32, #tpu.memory_space<hbm>>
      tpu.enqueue_indirect_dma source(%dma_start3A_89 : memref<16384x8xf32, #tpu.memory_space<hbm>>) target(%dma_start3A_83 : memref<128x8xf32, #tpu.memory_space<vmem>>) offsets(%dma_start3A_86 : memref<128xi32, #tpu.memory_space<vmem>>) semaphore(%arg7 : memref<!tpu.dma_semaphore, #tpu.memory_space<semaphore_mem>>)
      %mul3A_90 = arith.constant 11 : i32
      %mul3A_91 = arith.muli %scan3A_6, %mul3A_90 : i32
      %add3A_92 = arith.constant 6 : i32
      %add3A_93 = arith.addi %mul3A_91, %add3A_92 : i32
      %mul3A_94 = arith.constant 128 : i32
      %mul3A_95 = arith.muli %add3A_93, %mul3A_94 : i32
      %dma_start3A_96 = arith.constant 0 : i32
      %dma_start3A_97 = tpu.memref_slice %arg6[%mul3A_95, %dma_start3A_96] : memref<5632x8xf32, #tpu.memory_space<vmem>> -> memref<128x8xf32, #tpu.memory_space<vmem>>
      %dma_start3A_98 = arith.constant 0 : i32
      %dma_start3A_99 = tpu.memref_slice %arg5[%add3A_93, %dma_start3A_98] : memref<44x128xi32, #tpu.memory_space<vmem>> -> memref<1x128xi32, #tpu.memory_space<vmem>>
      %dma_start3A_100 = tpu.memref_squeeze %dma_start3A_99 : memref<1x128xi32, #tpu.memory_space<vmem>> -> memref<128xi32, #tpu.memory_space<vmem>>
      %dma_start3A_101 = arith.constant 0 : i32
      %dma_start3A_102 = arith.constant 0 : i32
      %dma_start3A_103 = tpu.memref_slice %arg2[%dma_start3A_101, %dma_start3A_102] : memref<16384x8xf32, #tpu.memory_space<hbm>> -> memref<16384x8xf32, #tpu.memory_space<hbm>>
      tpu.enqueue_indirect_dma source(%dma_start3A_103 : memref<16384x8xf32, #tpu.memory_space<hbm>>) target(%dma_start3A_97 : memref<128x8xf32, #tpu.memory_space<vmem>>) offsets(%dma_start3A_100 : memref<128xi32, #tpu.memory_space<vmem>>) semaphore(%arg7 : memref<!tpu.dma_semaphore, #tpu.memory_space<semaphore_mem>>)
      %mul3A_104 = arith.constant 11 : i32
      %mul3A_105 = arith.muli %scan3A_6, %mul3A_104 : i32
      %add3A_106 = arith.constant 7 : i32
      %add3A_107 = arith.addi %mul3A_105, %add3A_106 : i32
      %mul3A_108 = arith.constant 128 : i32
      %mul3A_109 = arith.muli %add3A_107, %mul3A_108 : i32
      %dma_start3A_110 = arith.constant 0 : i32
      %dma_start3A_111 = tpu.memref_slice %arg6[%mul3A_109, %dma_start3A_110] : memref<5632x8xf32, #tpu.memory_space<vmem>> -> memref<128x8xf32, #tpu.memory_space<vmem>>
      %dma_start3A_112 = arith.constant 0 : i32
      %dma_start3A_113 = tpu.memref_slice %arg5[%add3A_107, %dma_start3A_112] : memref<44x128xi32, #tpu.memory_space<vmem>> -> memref<1x128xi32, #tpu.memory_space<vmem>>
      %dma_start3A_114 = tpu.memref_squeeze %dma_start3A_113 : memref<1x128xi32, #tpu.memory_space<vmem>> -> memref<128xi32, #tpu.memory_space<vmem>>
      %dma_start3A_115 = arith.constant 0 : i32
      %dma_start3A_116 = arith.constant 0 : i32
      %dma_start3A_117 = tpu.memref_slice %arg2[%dma_start3A_115, %dma_start3A_116] : memref<16384x8xf32, #tpu.memory_space<hbm>> -> memref<16384x8xf32, #tpu.memory_space<hbm>>
      tpu.enqueue_indirect_dma source(%dma_start3A_117 : memref<16384x8xf32, #tpu.memory_space<hbm>>) target(%dma_start3A_111 : memref<128x8xf32, #tpu.memory_space<vmem>>) offsets(%dma_start3A_114 : memref<128xi32, #tpu.memory_space<vmem>>) semaphore(%arg7 : memref<!tpu.dma_semaphore, #tpu.memory_space<semaphore_mem>>)
      %mul3A_118 = arith.constant 11 : i32
      %mul3A_119 = arith.muli %scan3A_6, %mul3A_118 : i32
      %add3A_120 = arith.constant 8 : i32
      %add3A_121 = arith.addi %mul3A_119, %add3A_120 : i32
      %mul3A_122 = arith.constant 128 : i32
      %mul3A_123 = arith.muli %add3A_121, %mul3A_122 : i32
      %dma_start3A_124 = arith.constant 0 : i32
      %dma_start3A_125 = tpu.memref_slice %arg6[%mul3A_123, %dma_start3A_124] : memref<5632x8xf32, #tpu.memory_space<vmem>> -> memref<128x8xf32, #tpu.memory_space<vmem>>
      %dma_start3A_126 = arith.constant 0 : i32
      %dma_start3A_127 = tpu.memref_slice %arg5[%add3A_121, %dma_start3A_126] : memref<44x128xi32, #tpu.memory_space<vmem>> -> memref<1x128xi32, #tpu.memory_space<vmem>>
      %dma_start3A_128 = tpu.memref_squeeze %dma_start3A_127 : memref<1x128xi32, #tpu.memory_space<vmem>> -> memref<128xi32, #tpu.memory_space<vmem>>
      %dma_start3A_129 = arith.constant 0 : i32
      %dma_start3A_130 = arith.constant 0 : i32
      %dma_start3A_131 = tpu.memref_slice %arg2[%dma_start3A_129, %dma_start3A_130] : memref<16384x8xf32, #tpu.memory_space<hbm>> -> memref<16384x8xf32, #tpu.memory_space<hbm>>
      tpu.enqueue_indirect_dma source(%dma_start3A_131 : memref<16384x8xf32, #tpu.memory_space<hbm>>) target(%dma_start3A_125 : memref<128x8xf32, #tpu.memory_space<vmem>>) offsets(%dma_start3A_128 : memref<128xi32, #tpu.memory_space<vmem>>) semaphore(%arg7 : memref<!tpu.dma_semaphore, #tpu.memory_space<semaphore_mem>>)
      %mul3A_132 = arith.constant 11 : i32
      %mul3A_133 = arith.muli %scan3A_6, %mul3A_132 : i32
      %add3A_134 = arith.constant 9 : i32
      %add3A_135 = arith.addi %mul3A_133, %add3A_134 : i32
      %mul3A_136 = arith.constant 128 : i32
      %mul3A_137 = arith.muli %add3A_135, %mul3A_136 : i32
      %dma_start3A_138 = arith.constant 0 : i32
      %dma_start3A_139 = tpu.memref_slice %arg6[%mul3A_137, %dma_start3A_138] : memref<5632x8xf32, #tpu.memory_space<vmem>> -> memref<128x8xf32, #tpu.memory_space<vmem>>
      %dma_start3A_140 = arith.constant 0 : i32
      %dma_start3A_141 = tpu.memref_slice %arg5[%add3A_135, %dma_start3A_140] : memref<44x128xi32, #tpu.memory_space<vmem>> -> memref<1x128xi32, #tpu.memory_space<vmem>>
      %dma_start3A_142 = tpu.memref_squeeze %dma_start3A_141 : memref<1x128xi32, #tpu.memory_space<vmem>> -> memref<128xi32, #tpu.memory_space<vmem>>
      %dma_start3A_143 = arith.constant 0 : i32
      %dma_start3A_144 = arith.constant 0 : i32
      %dma_start3A_145 = tpu.memref_slice %arg2[%dma_start3A_143, %dma_start3A_144] : memref<16384x8xf32, #tpu.memory_space<hbm>> -> memref<16384x8xf32, #tpu.memory_space<hbm>>
      tpu.enqueue_indirect_dma source(%dma_start3A_145 : memref<16384x8xf32, #tpu.memory_space<hbm>>) target(%dma_start3A_139 : memref<128x8xf32, #tpu.memory_space<vmem>>) offsets(%dma_start3A_142 : memref<128xi32, #tpu.memory_space<vmem>>) semaphore(%arg7 : memref<!tpu.dma_semaphore, #tpu.memory_space<semaphore_mem>>)
      %mul3A_146 = arith.constant 11 : i32
      %mul3A_147 = arith.muli %scan3A_6, %mul3A_146 : i32
      %add3A_148 = arith.constant 10 : i32
      %add3A_149 = arith.addi %mul3A_147, %add3A_148 : i32
      %mul3A_150 = arith.constant 128 : i32
      %mul3A_151 = arith.muli %add3A_149, %mul3A_150 : i32
      %dma_start3A_152 = arith.constant 0 : i32
      %dma_start3A_153 = tpu.memref_slice %arg6[%mul3A_151, %dma_start3A_152] : memref<5632x8xf32, #tpu.memory_space<vmem>> -> memref<128x8xf32, #tpu.memory_space<vmem>>
      %dma_start3A_154 = arith.constant 0 : i32
      %dma_start3A_155 = tpu.memref_slice %arg5[%add3A_149, %dma_start3A_154] : memref<44x128xi32, #tpu.memory_space<vmem>> -> memref<1x128xi32, #tpu.memory_space<vmem>>
      %dma_start3A_156 = tpu.memref_squeeze %dma_start3A_155 : memref<1x128xi32, #tpu.memory_space<vmem>> -> memref<128xi32, #tpu.memory_space<vmem>>
      %dma_start3A_157 = arith.constant 0 : i32
      %dma_start3A_158 = arith.constant 0 : i32
      %dma_start3A_159 = tpu.memref_slice %arg2[%dma_start3A_157, %dma_start3A_158] : memref<16384x8xf32, #tpu.memory_space<hbm>> -> memref<16384x8xf32, #tpu.memory_space<hbm>>
      tpu.enqueue_indirect_dma source(%dma_start3A_159 : memref<16384x8xf32, #tpu.memory_space<hbm>>) target(%dma_start3A_153 : memref<128x8xf32, #tpu.memory_space<vmem>>) offsets(%dma_start3A_156 : memref<128xi32, #tpu.memory_space<vmem>>) semaphore(%arg7 : memref<!tpu.dma_semaphore, #tpu.memory_space<semaphore_mem>>)
      %dma_wait3A = arith.constant 0 : i32
      %dma_wait3A_160 = tpu.memref_slice %arg6[%mul3A_12, %dma_wait3A] : memref<5632x8xf32, #tpu.memory_space<vmem>> -> memref<128x8xf32, #tpu.memory_space<vmem>>
      %dma_wait3A_161 = arith.constant 0 : i32
      %dma_wait3A_162 = tpu.memref_slice %arg5[%add3A_10, %dma_wait3A_161] : memref<44x128xi32, #tpu.memory_space<vmem>> -> memref<1x128xi32, #tpu.memory_space<vmem>>
      %dma_wait3A_163 = tpu.memref_squeeze %dma_wait3A_162 : memref<1x128xi32, #tpu.memory_space<vmem>> -> memref<128xi32, #tpu.memory_space<vmem>>
      %dma_wait3A_164 = arith.constant 0 : i32
      %dma_wait3A_165 = arith.constant 0 : i32
      %dma_wait3A_166 = tpu.memref_slice %arg2[%dma_wait3A_164, %dma_wait3A_165] : memref<16384x8xf32, #tpu.memory_space<hbm>> -> memref<16384x8xf32, #tpu.memory_space<hbm>>
      tpu.wait_indirect_dma semaphore(%arg7 : memref<!tpu.dma_semaphore, #tpu.memory_space<semaphore_mem>>) src(%dma_wait3A_166 : memref<16384x8xf32, #tpu.memory_space<hbm>>) dst(%dma_wait3A_160 : memref<128x8xf32, #tpu.memory_space<vmem>>)
      %dma_wait3A_167 = arith.constant 0 : i32
      %dma_wait3A_168 = tpu.memref_slice %arg6[%mul3A_25, %dma_wait3A_167] : memref<5632x8xf32, #tpu.memory_space<vmem>> -> memref<128x8xf32, #tpu.memory_space<vmem>>
      %dma_wait3A_169 = arith.constant 0 : i32
      %dma_wait3A_170 = tpu.memref_slice %arg5[%add3A_23, %dma_wait3A_169] : memref<44x128xi32, #tpu.memory_space<vmem>> -> memref<1x128xi32, #tpu.memory_space<vmem>>
      %dma_wait3A_171 = tpu.memref_squeeze %dma_wait3A_170 : memref<1x128xi32, #tpu.memory_space<vmem>> -> memref<128xi32, #tpu.memory_space<vmem>>
      %dma_wait3A_172 = arith.constant 0 : i32
      %dma_wait3A_173 = arith.constant 0 : i32
      %dma_wait3A_174 = tpu.memref_slice %arg2[%dma_wait3A_172, %dma_wait3A_173] : memref<16384x8xf32, #tpu.memory_space<hbm>> -> memref<16384x8xf32, #tpu.memory_space<hbm>>
      tpu.wait_indirect_dma semaphore(%arg7 : memref<!tpu.dma_semaphore, #tpu.memory_space<semaphore_mem>>) src(%dma_wait3A_174 : memref<16384x8xf32, #tpu.memory_space<hbm>>) dst(%dma_wait3A_168 : memref<128x8xf32, #tpu.memory_space<vmem>>)
      %dma_wait3A_175 = arith.constant 0 : i32
      %dma_wait3A_176 = tpu.memref_slice %arg6[%mul3A_39, %dma_wait3A_175] : memref<5632x8xf32, #tpu.memory_space<vmem>> -> memref<128x8xf32, #tpu.memory_space<vmem>>
      %dma_wait3A_177 = arith.constant 0 : i32
      %dma_wait3A_178 = tpu.memref_slice %arg5[%add3A_37, %dma_wait3A_177] : memref<44x128xi32, #tpu.memory_space<vmem>> -> memref<1x128xi32, #tpu.memory_space<vmem>>
      %dma_wait3A_179 = tpu.memref_squeeze %dma_wait3A_178 : memref<1x128xi32, #tpu.memory_space<vmem>> -> memref<128xi32, #tpu.memory_space<vmem>>
      %dma_wait3A_180 = arith.constant 0 : i32
      %dma_wait3A_181 = arith.constant 0 : i32
      %dma_wait3A_182 = tpu.memref_slice %arg2[%dma_wait3A_180, %dma_wait3A_181] : memref<16384x8xf32, #tpu.memory_space<hbm>> -> memref<16384x8xf32, #tpu.memory_space<hbm>>
      tpu.wait_indirect_dma semaphore(%arg7 : memref<!tpu.dma_semaphore, #tpu.memory_space<semaphore_mem>>) src(%dma_wait3A_182 : memref<16384x8xf32, #tpu.memory_space<hbm>>) dst(%dma_wait3A_176 : memref<128x8xf32, #tpu.memory_space<vmem>>)
      %dma_wait3A_183 = arith.constant 0 : i32
      %dma_wait3A_184 = tpu.memref_slice %arg6[%mul3A_53, %dma_wait3A_183] : memref<5632x8xf32, #tpu.memory_space<vmem>> -> memref<128x8xf32, #tpu.memory_space<vmem>>
      %dma_wait3A_185 = arith.constant 0 : i32
      %dma_wait3A_186 = tpu.memref_slice %arg5[%add3A_51, %dma_wait3A_185] : memref<44x128xi32, #tpu.memory_space<vmem>> -> memref<1x128xi32, #tpu.memory_space<vmem>>
      %dma_wait3A_187 = tpu.memref_squeeze %dma_wait3A_186 : memref<1x128xi32, #tpu.memory_space<vmem>> -> memref<128xi32, #tpu.memory_space<vmem>>
      %dma_wait3A_188 = arith.constant 0 : i32
      %dma_wait3A_189 = arith.constant 0 : i32
      %dma_wait3A_190 = tpu.memref_slice %arg2[%dma_wait3A_188, %dma_wait3A_189] : memref<16384x8xf32, #tpu.memory_space<hbm>> -> memref<16384x8xf32, #tpu.memory_space<hbm>>
      tpu.wait_indirect_dma semaphore(%arg7 : memref<!tpu.dma_semaphore, #tpu.memory_space<semaphore_mem>>) src(%dma_wait3A_190 : memref<16384x8xf32, #tpu.memory_space<hbm>>) dst(%dma_wait3A_184 : memref<128x8xf32, #tpu.memory_space<vmem>>)
      %dma_wait3A_191 = arith.constant 0 : i32
      %dma_wait3A_192 = tpu.memref_slice %arg6[%mul3A_67, %dma_wait3A_191] : memref<5632x8xf32, #tpu.memory_space<vmem>> -> memref<128x8xf32, #tpu.memory_space<vmem>>
      %dma_wait3A_193 = arith.constant 0 : i32
      %dma_wait3A_194 = tpu.memref_slice %arg5[%add3A_65, %dma_wait3A_193] : memref<44x128xi32, #tpu.memory_space<vmem>> -> memref<1x128xi32, #tpu.memory_space<vmem>>
      %dma_wait3A_195 = tpu.memref_squeeze %dma_wait3A_194 : memref<1x128xi32, #tpu.memory_space<vmem>> -> memref<128xi32, #tpu.memory_space<vmem>>
      %dma_wait3A_196 = arith.constant 0 : i32
      %dma_wait3A_197 = arith.constant 0 : i32
      %dma_wait3A_198 = tpu.memref_slice %arg2[%dma_wait3A_196, %dma_wait3A_197] : memref<16384x8xf32, #tpu.memory_space<hbm>> -> memref<16384x8xf32, #tpu.memory_space<hbm>>
      tpu.wait_indirect_dma semaphore(%arg7 : memref<!tpu.dma_semaphore, #tpu.memory_space<semaphore_mem>>) src(%dma_wait3A_198 : memref<16384x8xf32, #tpu.memory_space<hbm>>) dst(%dma_wait3A_192 : memref<128x8xf32, #tpu.memory_space<vmem>>)
      %dma_wait3A_199 = arith.constant 0 : i32
      %dma_wait3A_200 = tpu.memref_slice %arg6[%mul3A_81, %dma_wait3A_199] : memref<5632x8xf32, #tpu.memory_space<vmem>> -> memref<128x8xf32, #tpu.memory_space<vmem>>
      %dma_wait3A_201 = arith.constant 0 : i32
      %dma_wait3A_202 = tpu.memref_slice %arg5[%add3A_79, %dma_wait3A_201] : memref<44x128xi32, #tpu.memory_space<vmem>> -> memref<1x128xi32, #tpu.memory_space<vmem>>
      %dma_wait3A_203 = tpu.memref_squeeze %dma_wait3A_202 : memref<1x128xi32, #tpu.memory_space<vmem>> -> memref<128xi32, #tpu.memory_space<vmem>>
      %dma_wait3A_204 = arith.constant 0 : i32
      %dma_wait3A_205 = arith.constant 0 : i32
      %dma_wait3A_206 = tpu.memref_slice %arg2[%dma_wait3A_204, %dma_wait3A_205] : memref<16384x8xf32, #tpu.memory_space<hbm>> -> memref<16384x8xf32, #tpu.memory_space<hbm>>
      tpu.wait_indirect_dma semaphore(%arg7 : memref<!tpu.dma_semaphore, #tpu.memory_space<semaphore_mem>>) src(%dma_wait3A_206 : memref<16384x8xf32, #tpu.memory_space<hbm>>) dst(%dma_wait3A_200 : memref<128x8xf32, #tpu.memory_space<vmem>>)
      %dma_wait3A_207 = arith.constant 0 : i32
      %dma_wait3A_208 = tpu.memref_slice %arg6[%mul3A_95, %dma_wait3A_207] : memref<5632x8xf32, #tpu.memory_space<vmem>> -> memref<128x8xf32, #tpu.memory_space<vmem>>
      %dma_wait3A_209 = arith.constant 0 : i32
      %dma_wait3A_210 = tpu.memref_slice %arg5[%add3A_93, %dma_wait3A_209] : memref<44x128xi32, #tpu.memory_space<vmem>> -> memref<1x128xi32, #tpu.memory_space<vmem>>
      %dma_wait3A_211 = tpu.memref_squeeze %dma_wait3A_210 : memref<1x128xi32, #tpu.memory_space<vmem>> -> memref<128xi32, #tpu.memory_space<vmem>>
      %dma_wait3A_212 = arith.constant 0 : i32
      %dma_wait3A_213 = arith.constant 0 : i32
      %dma_wait3A_214 = tpu.memref_slice %arg2[%dma_wait3A_212, %dma_wait3A_213] : memref<16384x8xf32, #tpu.memory_space<hbm>> -> memref<16384x8xf32, #tpu.memory_space<hbm>>
      tpu.wait_indirect_dma semaphore(%arg7 : memref<!tpu.dma_semaphore, #tpu.memory_space<semaphore_mem>>) src(%dma_wait3A_214 : memref<16384x8xf32, #tpu.memory_space<hbm>>) dst(%dma_wait3A_208 : memref<128x8xf32, #tpu.memory_space<vmem>>)
      %dma_wait3A_215 = arith.constant 0 : i32
      %dma_wait3A_216 = tpu.memref_slice %arg6[%mul3A_109, %dma_wait3A_215] : memref<5632x8xf32, #tpu.memory_space<vmem>> -> memref<128x8xf32, #tpu.memory_space<vmem>>
      %dma_wait3A_217 = arith.constant 0 : i32
      %dma_wait3A_218 = tpu.memref_slice %arg5[%add3A_107, %dma_wait3A_217] : memref<44x128xi32, #tpu.memory_space<vmem>> -> memref<1x128xi32, #tpu.memory_space<vmem>>
      %dma_wait3A_219 = tpu.memref_squeeze %dma_wait3A_218 : memref<1x128xi32, #tpu.memory_space<vmem>> -> memref<128xi32, #tpu.memory_space<vmem>>
      %dma_wait3A_220 = arith.constant 0 : i32
      %dma_wait3A_221 = arith.constant 0 : i32
      %dma_wait3A_222 = tpu.memref_slice %arg2[%dma_wait3A_220, %dma_wait3A_221] : memref<16384x8xf32, #tpu.memory_space<hbm>> -> memref<16384x8xf32, #tpu.memory_space<hbm>>
      tpu.wait_indirect_dma semaphore(%arg7 : memref<!tpu.dma_semaphore, #tpu.memory_space<semaphore_mem>>) src(%dma_wait3A_222 : memref<16384x8xf32, #tpu.memory_space<hbm>>) dst(%dma_wait3A_216 : memref<128x8xf32, #tpu.memory_space<vmem>>)
      %dma_wait3A_223 = arith.constant 0 : i32
      %dma_wait3A_224 = tpu.memref_slice %arg6[%mul3A_123, %dma_wait3A_223] : memref<5632x8xf32, #tpu.memory_space<vmem>> -> memref<128x8xf32, #tpu.memory_space<vmem>>
      %dma_wait3A_225 = arith.constant 0 : i32
      %dma_wait3A_226 = tpu.memref_slice %arg5[%add3A_121, %dma_wait3A_225] : memref<44x128xi32, #tpu.memory_space<vmem>> -> memref<1x128xi32, #tpu.memory_space<vmem>>
      %dma_wait3A_227 = tpu.memref_squeeze %dma_wait3A_226 : memref<1x128xi32, #tpu.memory_space<vmem>> -> memref<128xi32, #tpu.memory_space<vmem>>
      %dma_wait3A_228 = arith.constant 0 : i32
      %dma_wait3A_229 = arith.constant 0 : i32
      %dma_wait3A_230 = tpu.memref_slice %arg2[%dma_wait3A_228, %dma_wait3A_229] : memref<16384x8xf32, #tpu.memory_space<hbm>> -> memref<16384x8xf32, #tpu.memory_space<hbm>>
      tpu.wait_indirect_dma semaphore(%arg7 : memref<!tpu.dma_semaphore, #tpu.memory_space<semaphore_mem>>) src(%dma_wait3A_230 : memref<16384x8xf32, #tpu.memory_space<hbm>>) dst(%dma_wait3A_224 : memref<128x8xf32, #tpu.memory_space<vmem>>)
      %dma_wait3A_231 = arith.constant 0 : i32
      %dma_wait3A_232 = tpu.memref_slice %arg6[%mul3A_137, %dma_wait3A_231] : memref<5632x8xf32, #tpu.memory_space<vmem>> -> memref<128x8xf32, #tpu.memory_space<vmem>>
      %dma_wait3A_233 = arith.constant 0 : i32
      %dma_wait3A_234 = tpu.memref_slice %arg5[%add3A_135, %dma_wait3A_233] : memref<44x128xi32, #tpu.memory_space<vmem>> -> memref<1x128xi32, #tpu.memory_space<vmem>>
      %dma_wait3A_235 = tpu.memref_squeeze %dma_wait3A_234 : memref<1x128xi32, #tpu.memory_space<vmem>> -> memref<128xi32, #tpu.memory_space<vmem>>
      %dma_wait3A_236 = arith.constant 0 : i32
      %dma_wait3A_237 = arith.constant 0 : i32
      %dma_wait3A_238 = tpu.memref_slice %arg2[%dma_wait3A_236, %dma_wait3A_237] : memref<16384x8xf32, #tpu.memory_space<hbm>> -> memref<16384x8xf32, #tpu.memory_space<hbm>>
      tpu.wait_indirect_dma semaphore(%arg7 : memref<!tpu.dma_semaphore, #tpu.memory_space<semaphore_mem>>) src(%dma_wait3A_238 : memref<16384x8xf32, #tpu.memory_space<hbm>>) dst(%dma_wait3A_232 : memref<128x8xf32, #tpu.memory_space<vmem>>)
      %dma_wait3A_239 = arith.constant 0 : i32
      %dma_wait3A_240 = tpu.memref_slice %arg6[%mul3A_151, %dma_wait3A_239] : memref<5632x8xf32, #tpu.memory_space<vmem>> -> memref<128x8xf32, #tpu.memory_space<vmem>>
      %dma_wait3A_241 = arith.constant 0 : i32
      %dma_wait3A_242 = tpu.memref_slice %arg5[%add3A_149, %dma_wait3A_241] : memref<44x128xi32, #tpu.memory_space<vmem>> -> memref<1x128xi32, #tpu.memory_space<vmem>>
      %dma_wait3A_243 = tpu.memref_squeeze %dma_wait3A_242 : memref<1x128xi32, #tpu.memory_space<vmem>> -> memref<128xi32, #tpu.memory_space<vmem>>
      %dma_wait3A_244 = arith.constant 0 : i32
      %dma_wait3A_245 = arith.constant 0 : i32
      %dma_wait3A_246 = tpu.memref_slice %arg2[%dma_wait3A_244, %dma_wait3A_245] : memref<16384x8xf32, #tpu.memory_space<hbm>> -> memref<16384x8xf32, #tpu.memory_space<hbm>>
      tpu.wait_indirect_dma semaphore(%arg7 : memref<!tpu.dma_semaphore, #tpu.memory_space<semaphore_mem>>) src(%dma_wait3A_246 : memref<16384x8xf32, #tpu.memory_space<hbm>>) dst(%dma_wait3A_240 : memref<128x8xf32, #tpu.memory_space<vmem>>)
    }
    %scan3A_5 = arith.constant 4 : i32
    "tpu.region"() ({
      %run_scoped3A = tpu.sem_alloc : memref<!tpu.dma_semaphore, #tpu.memory_space<semaphore_mem>>
      %dma_start3A = arith.constant 0 : i32
      %dma_start3A_6 = arith.constant 0 : i32
      %dma_start3A_7 = tpu.memref_slice %arg4[%add3A, %dma_start3A, %dma_start3A_6] : memref<32x5632x8xf32, #tpu.memory_space<hbm>> -> memref<1x5632x8xf32, #tpu.memory_space<hbm>>
      %dma_start3A_8 = tpu.memref_squeeze %dma_start3A_7 : memref<1x5632x8xf32, #tpu.memory_space<hbm>> -> memref<5632x8xf32, #tpu.memory_space<hbm>>
      %dma_start3A_9 = arith.constant 0 : i32
      %dma_start3A_10 = arith.constant 0 : i32
      %dma_start3A_11 = tpu.memref_slice %arg4[%add3A, %dma_start3A_9, %dma_start3A_10] : memref<32x5632x8xf32, #tpu.memory_space<hbm>> -> memref<1x5632x8xf32, #tpu.memory_space<hbm>>
      %dma_start3A_12 = tpu.memref_squeeze %dma_start3A_11 : memref<1x5632x8xf32, #tpu.memory_space<hbm>> -> memref<5632x8xf32, #tpu.memory_space<hbm>>
      tpu.enqueue_dma source(%arg6 : memref<5632x8xf32, #tpu.memory_space<vmem>>) target(%dma_start3A_12 : memref<5632x8xf32, #tpu.memory_space<hbm>>) target_semaphore(%run_scoped3A : memref<!tpu.dma_semaphore, #tpu.memory_space<semaphore_mem>>)
      %dma_wait3A = arith.constant 0 : i32
      %dma_wait3A_13 = arith.constant 0 : i32
      %dma_wait3A_14 = tpu.memref_slice %arg4[%add3A, %dma_wait3A, %dma_wait3A_13] : memref<32x5632x8xf32, #tpu.memory_space<hbm>> -> memref<1x5632x8xf32, #tpu.memory_space<hbm>>
      %dma_wait3A_15 = tpu.memref_squeeze %dma_wait3A_14 : memref<1x5632x8xf32, #tpu.memory_space<hbm>> -> memref<5632x8xf32, #tpu.memory_space<hbm>>
      %dma_wait3A_16 = arith.constant 0 : i32
      %dma_wait3A_17 = arith.constant 0 : i32
      %dma_wait3A_18 = tpu.memref_slice %arg4[%add3A, %dma_wait3A_16, %dma_wait3A_17] : memref<32x5632x8xf32, #tpu.memory_space<hbm>> -> memref<1x5632x8xf32, #tpu.memory_space<hbm>>
      %dma_wait3A_19 = tpu.memref_squeeze %dma_wait3A_18 : memref<1x5632x8xf32, #tpu.memory_space<hbm>> -> memref<5632x8xf32, #tpu.memory_space<hbm>>
      tpu.wait_dma2 semaphore(%run_scoped3A : memref<!tpu.dma_semaphore, #tpu.memory_space<semaphore_mem>>) src(%arg6 : memref<5632x8xf32, #tpu.memory_space<vmem>>) dst(%dma_wait3A_19 : memref<5632x8xf32, #tpu.memory_space<hbm>>)
      tpu.yield
    }) : () -> ()
    return
  }
}

module attributes {stable_mosaic.version = 14 : i64} {
  func.func @_topk_body(%arg0: i32, %arg1: i32, %arg2: memref<1x512x3xf32, #tpu.memory_space<vmem>>, %arg3: memref<1x3x4096xf32, #tpu.memory_space<vmem>>, %arg4: memref<1x512x11xi32, #tpu.memory_space<vmem>>) attributes {dimension_semantics = [#tpu.dimension_semantics<arbitrary>, #tpu.dimension_semantics<arbitrary>], iteration_bounds = array<i64: 4, 8>, scalar_prefetch = 0 : i64, scratch_operands = 0 : i64, tpu.core_type = #tpu.core_type<tc>, window_params = [{transform_indices = @transform_0, window_bounds = array<i64: 1, 512, 3>}, {transform_indices = @transform_1, window_bounds = array<i64: 1, 3, 4096>}, {transform_indices = @transform_2, window_bounds = array<i64: 1, 512, 11>}]} {
    %get3A = arith.constant 0 : index
    %get3A_0 = arith.constant 0 : index
    %get3A_1 = arith.constant 0 : index
    %get3A_2 = vector.load %arg2[%get3A, %get3A_0, %get3A_1] : memref<1x512x3xf32, #tpu.memory_space<vmem>>, vector<1x512x3xf32>
    %get3A_3 = vector.shape_cast %get3A_2 : vector<1x512x3xf32> to vector<512x3xf32>
    %get3A_4 = arith.constant 0 : index
    %get3A_5 = arith.constant 0 : index
    %get3A_6 = arith.constant 0 : index
    %get3A_7 = vector.load %arg3[%get3A_4, %get3A_5, %get3A_6] : memref<1x3x4096xf32, #tpu.memory_space<vmem>>, vector<1x3x4096xf32>
    %get3A_8 = vector.shape_cast %get3A_7 : vector<1x3x4096xf32> to vector<3x4096xf32>
    %mul3A = arith.mulf %get3A_3, %get3A_3 : vector<512x3xf32>
    %reduce_sum3A = arith.constant dense<0.000000e+00> : vector<512xf32>
    %reduce_sum3A_9 = vector.multi_reduction <add>, %mul3A, %reduce_sum3A [1] : vector<512x3xf32> to vector<512xf32>
    %broadcast_in_dim3A = vector.shape_cast %reduce_sum3A_9 : vector<512xf32> to vector<512x1xf32>
    %mul3A_10 = arith.mulf %get3A_8, %get3A_8 : vector<3x4096xf32>
    %reduce_sum3A_11 = arith.constant dense<0.000000e+00> : vector<4096xf32>
    %reduce_sum3A_12 = vector.multi_reduction <add>, %mul3A_10, %reduce_sum3A_11 [0] : vector<3x4096xf32> to vector<4096xf32>
    %broadcast_in_dim3A_13 = vector.shape_cast %reduce_sum3A_12 : vector<4096xf32> to vector<1x4096xf32>
    %dot_general3A = arith.constant dense<0.000000e+00> : vector<512x4096xf32>
    %dot_general3A_14 = tpu.matmul %get3A_3, %get3A_8, %dot_general3A {dimension_numbers = #tpu.dot_dimension_numbers<[1], [0], [0], [1], [0, 0, 1, 1], [], []>, transpose_lhs_hint = false} : vector<512x3xf32>, vector<3x4096xf32>, vector<512x4096xf32> -> vector<512x4096xf32>
    %add3A = vector.broadcast %broadcast_in_dim3A : vector<512x1xf32> to vector<512x4096xf32>
    %add3A_15 = vector.broadcast %broadcast_in_dim3A_13 : vector<1x4096xf32> to vector<512x4096xf32>
    %add3A_16 = arith.addf %add3A, %add3A_15 : vector<512x4096xf32>
    %mul3A_17 = arith.constant 2.000000e+00 : f32
    %mul3A_18 = vector.broadcast %mul3A_17 : f32 to vector<512x4096xf32>
    %mul3A_19 = arith.mulf %mul3A_18, %dot_general3A_14 : vector<512x4096xf32>
    %sub3A = arith.subf %add3A_16, %mul3A_19 : vector<512x4096xf32>
    %iota3A = tpu.iota {dimensions = array<i32: 1>} : vector<512x4096xi32>
    %convert_element_type3A = arith.sitofp %iota3A : vector<512x4096xi32> to vector<512x4096xf32>
    %reduce_min3A = arith.constant dense<0x7F800000> : vector<512xf32>
    %reduce_min3A_20 = vector.multi_reduction <minimumf>, %sub3A, %reduce_min3A [1] : vector<512x4096xf32> to vector<512xf32>
    %broadcast_in_dim3A_21 = vector.shape_cast %reduce_min3A_20 : vector<512xf32> to vector<512x1xf32>
    %eq3A = vector.broadcast %broadcast_in_dim3A_21 : vector<512x1xf32> to vector<512x4096xf32>
    %eq3A_22 = arith.cmpf oeq, %sub3A, %eq3A : vector<512x4096xf32>
    %jit3A = arith.constant 4.096000e+03 : f32
    %broadcast_in_dim3A_23 = vector.broadcast %jit3A : f32 to vector<512x4096xf32>
    %select_n3A = arith.select %eq3A_22, %convert_element_type3A, %broadcast_in_dim3A_23 : vector<512x4096xi1>, vector<512x4096xf32>
    %reduce_min3A_24 = arith.constant dense<0x7F800000> : vector<512xf32>
    %reduce_min3A_25 = vector.multi_reduction <minimumf>, %select_n3A, %reduce_min3A_24 [1] : vector<512x4096xf32> to vector<512xf32>
    %broadcast_in_dim3A_26 = vector.shape_cast %reduce_min3A_25 : vector<512xf32> to vector<512x1xf32>
    %convert_element_type3A_27 = arith.fptosi %broadcast_in_dim3A_26 : vector<512x1xf32> to vector<512x1xi32>
    %jit3A_28 = arith.constant 0x7F800000 : f32
    %broadcast_in_dim3A_29 = vector.broadcast %jit3A_28 : f32 to vector<512x4096xf32>
    %select_n3A_30 = arith.select %eq3A_22, %broadcast_in_dim3A_29, %sub3A : vector<512x4096xi1>, vector<512x4096xf32>
    %reduce_min3A_31 = arith.constant dense<0x7F800000> : vector<512xf32>
    %reduce_min3A_32 = vector.multi_reduction <minimumf>, %select_n3A_30, %reduce_min3A_31 [1] : vector<512x4096xf32> to vector<512xf32>
    %broadcast_in_dim3A_33 = vector.shape_cast %reduce_min3A_32 : vector<512xf32> to vector<512x1xf32>
    %eq3A_34 = vector.broadcast %broadcast_in_dim3A_33 : vector<512x1xf32> to vector<512x4096xf32>
    %eq3A_35 = arith.cmpf oeq, %select_n3A_30, %eq3A_34 : vector<512x4096xf32>
    %jit3A_36 = arith.constant 4.096000e+03 : f32
    %broadcast_in_dim3A_37 = vector.broadcast %jit3A_36 : f32 to vector<512x4096xf32>
    %select_n3A_38 = arith.select %eq3A_35, %convert_element_type3A, %broadcast_in_dim3A_37 : vector<512x4096xi1>, vector<512x4096xf32>
    %reduce_min3A_39 = arith.constant dense<0x7F800000> : vector<512xf32>
    %reduce_min3A_40 = vector.multi_reduction <minimumf>, %select_n3A_38, %reduce_min3A_39 [1] : vector<512x4096xf32> to vector<512xf32>
    %broadcast_in_dim3A_41 = vector.shape_cast %reduce_min3A_40 : vector<512xf32> to vector<512x1xf32>
    %convert_element_type3A_42 = arith.fptosi %broadcast_in_dim3A_41 : vector<512x1xf32> to vector<512x1xi32>
    %jit3A_43 = arith.constant 0x7F800000 : f32
    %broadcast_in_dim3A_44 = vector.broadcast %jit3A_43 : f32 to vector<512x4096xf32>
    %select_n3A_45 = arith.select %eq3A_35, %broadcast_in_dim3A_44, %select_n3A_30 : vector<512x4096xi1>, vector<512x4096xf32>
    %reduce_min3A_46 = arith.constant dense<0x7F800000> : vector<512xf32>
    %reduce_min3A_47 = vector.multi_reduction <minimumf>, %select_n3A_45, %reduce_min3A_46 [1] : vector<512x4096xf32> to vector<512xf32>
    %broadcast_in_dim3A_48 = vector.shape_cast %reduce_min3A_47 : vector<512xf32> to vector<512x1xf32>
    %eq3A_49 = vector.broadcast %broadcast_in_dim3A_48 : vector<512x1xf32> to vector<512x4096xf32>
    %eq3A_50 = arith.cmpf oeq, %select_n3A_45, %eq3A_49 : vector<512x4096xf32>
    %jit3A_51 = arith.constant 4.096000e+03 : f32
    %broadcast_in_dim3A_52 = vector.broadcast %jit3A_51 : f32 to vector<512x4096xf32>
    %select_n3A_53 = arith.select %eq3A_50, %convert_element_type3A, %broadcast_in_dim3A_52 : vector<512x4096xi1>, vector<512x4096xf32>
    %reduce_min3A_54 = arith.constant dense<0x7F800000> : vector<512xf32>
    %reduce_min3A_55 = vector.multi_reduction <minimumf>, %select_n3A_53, %reduce_min3A_54 [1] : vector<512x4096xf32> to vector<512xf32>
    %broadcast_in_dim3A_56 = vector.shape_cast %reduce_min3A_55 : vector<512xf32> to vector<512x1xf32>
    %convert_element_type3A_57 = arith.fptosi %broadcast_in_dim3A_56 : vector<512x1xf32> to vector<512x1xi32>
    %jit3A_58 = arith.constant 0x7F800000 : f32
    %broadcast_in_dim3A_59 = vector.broadcast %jit3A_58 : f32 to vector<512x4096xf32>
    %select_n3A_60 = arith.select %eq3A_50, %broadcast_in_dim3A_59, %select_n3A_45 : vector<512x4096xi1>, vector<512x4096xf32>
    %reduce_min3A_61 = arith.constant dense<0x7F800000> : vector<512xf32>
    %reduce_min3A_62 = vector.multi_reduction <minimumf>, %select_n3A_60, %reduce_min3A_61 [1] : vector<512x4096xf32> to vector<512xf32>
    %broadcast_in_dim3A_63 = vector.shape_cast %reduce_min3A_62 : vector<512xf32> to vector<512x1xf32>
    %eq3A_64 = vector.broadcast %broadcast_in_dim3A_63 : vector<512x1xf32> to vector<512x4096xf32>
    %eq3A_65 = arith.cmpf oeq, %select_n3A_60, %eq3A_64 : vector<512x4096xf32>
    %jit3A_66 = arith.constant 4.096000e+03 : f32
    %broadcast_in_dim3A_67 = vector.broadcast %jit3A_66 : f32 to vector<512x4096xf32>
    %select_n3A_68 = arith.select %eq3A_65, %convert_element_type3A, %broadcast_in_dim3A_67 : vector<512x4096xi1>, vector<512x4096xf32>
    %reduce_min3A_69 = arith.constant dense<0x7F800000> : vector<512xf32>
    %reduce_min3A_70 = vector.multi_reduction <minimumf>, %select_n3A_68, %reduce_min3A_69 [1] : vector<512x4096xf32> to vector<512xf32>
    %broadcast_in_dim3A_71 = vector.shape_cast %reduce_min3A_70 : vector<512xf32> to vector<512x1xf32>
    %convert_element_type3A_72 = arith.fptosi %broadcast_in_dim3A_71 : vector<512x1xf32> to vector<512x1xi32>
    %jit3A_73 = arith.constant 0x7F800000 : f32
    %broadcast_in_dim3A_74 = vector.broadcast %jit3A_73 : f32 to vector<512x4096xf32>
    %select_n3A_75 = arith.select %eq3A_65, %broadcast_in_dim3A_74, %select_n3A_60 : vector<512x4096xi1>, vector<512x4096xf32>
    %reduce_min3A_76 = arith.constant dense<0x7F800000> : vector<512xf32>
    %reduce_min3A_77 = vector.multi_reduction <minimumf>, %select_n3A_75, %reduce_min3A_76 [1] : vector<512x4096xf32> to vector<512xf32>
    %broadcast_in_dim3A_78 = vector.shape_cast %reduce_min3A_77 : vector<512xf32> to vector<512x1xf32>
    %eq3A_79 = vector.broadcast %broadcast_in_dim3A_78 : vector<512x1xf32> to vector<512x4096xf32>
    %eq3A_80 = arith.cmpf oeq, %select_n3A_75, %eq3A_79 : vector<512x4096xf32>
    %jit3A_81 = arith.constant 4.096000e+03 : f32
    %broadcast_in_dim3A_82 = vector.broadcast %jit3A_81 : f32 to vector<512x4096xf32>
    %select_n3A_83 = arith.select %eq3A_80, %convert_element_type3A, %broadcast_in_dim3A_82 : vector<512x4096xi1>, vector<512x4096xf32>
    %reduce_min3A_84 = arith.constant dense<0x7F800000> : vector<512xf32>
    %reduce_min3A_85 = vector.multi_reduction <minimumf>, %select_n3A_83, %reduce_min3A_84 [1] : vector<512x4096xf32> to vector<512xf32>
    %broadcast_in_dim3A_86 = vector.shape_cast %reduce_min3A_85 : vector<512xf32> to vector<512x1xf32>
    %convert_element_type3A_87 = arith.fptosi %broadcast_in_dim3A_86 : vector<512x1xf32> to vector<512x1xi32>
    %jit3A_88 = arith.constant 0x7F800000 : f32
    %broadcast_in_dim3A_89 = vector.broadcast %jit3A_88 : f32 to vector<512x4096xf32>
    %select_n3A_90 = arith.select %eq3A_80, %broadcast_in_dim3A_89, %select_n3A_75 : vector<512x4096xi1>, vector<512x4096xf32>
    %reduce_min3A_91 = arith.constant dense<0x7F800000> : vector<512xf32>
    %reduce_min3A_92 = vector.multi_reduction <minimumf>, %select_n3A_90, %reduce_min3A_91 [1] : vector<512x4096xf32> to vector<512xf32>
    %broadcast_in_dim3A_93 = vector.shape_cast %reduce_min3A_92 : vector<512xf32> to vector<512x1xf32>
    %eq3A_94 = vector.broadcast %broadcast_in_dim3A_93 : vector<512x1xf32> to vector<512x4096xf32>
    %eq3A_95 = arith.cmpf oeq, %select_n3A_90, %eq3A_94 : vector<512x4096xf32>
    %jit3A_96 = arith.constant 4.096000e+03 : f32
    %broadcast_in_dim3A_97 = vector.broadcast %jit3A_96 : f32 to vector<512x4096xf32>
    %select_n3A_98 = arith.select %eq3A_95, %convert_element_type3A, %broadcast_in_dim3A_97 : vector<512x4096xi1>, vector<512x4096xf32>
    %reduce_min3A_99 = arith.constant dense<0x7F800000> : vector<512xf32>
    %reduce_min3A_100 = vector.multi_reduction <minimumf>, %select_n3A_98, %reduce_min3A_99 [1] : vector<512x4096xf32> to vector<512xf32>
    %broadcast_in_dim3A_101 = vector.shape_cast %reduce_min3A_100 : vector<512xf32> to vector<512x1xf32>
    %convert_element_type3A_102 = arith.fptosi %broadcast_in_dim3A_101 : vector<512x1xf32> to vector<512x1xi32>
    %jit3A_103 = arith.constant 0x7F800000 : f32
    %broadcast_in_dim3A_104 = vector.broadcast %jit3A_103 : f32 to vector<512x4096xf32>
    %select_n3A_105 = arith.select %eq3A_95, %broadcast_in_dim3A_104, %select_n3A_90 : vector<512x4096xi1>, vector<512x4096xf32>
    %reduce_min3A_106 = arith.constant dense<0x7F800000> : vector<512xf32>
    %reduce_min3A_107 = vector.multi_reduction <minimumf>, %select_n3A_105, %reduce_min3A_106 [1] : vector<512x4096xf32> to vector<512xf32>
    %broadcast_in_dim3A_108 = vector.shape_cast %reduce_min3A_107 : vector<512xf32> to vector<512x1xf32>
    %eq3A_109 = vector.broadcast %broadcast_in_dim3A_108 : vector<512x1xf32> to vector<512x4096xf32>
    %eq3A_110 = arith.cmpf oeq, %select_n3A_105, %eq3A_109 : vector<512x4096xf32>
    %jit3A_111 = arith.constant 4.096000e+03 : f32
    %broadcast_in_dim3A_112 = vector.broadcast %jit3A_111 : f32 to vector<512x4096xf32>
    %select_n3A_113 = arith.select %eq3A_110, %convert_element_type3A, %broadcast_in_dim3A_112 : vector<512x4096xi1>, vector<512x4096xf32>
    %reduce_min3A_114 = arith.constant dense<0x7F800000> : vector<512xf32>
    %reduce_min3A_115 = vector.multi_reduction <minimumf>, %select_n3A_113, %reduce_min3A_114 [1] : vector<512x4096xf32> to vector<512xf32>
    %broadcast_in_dim3A_116 = vector.shape_cast %reduce_min3A_115 : vector<512xf32> to vector<512x1xf32>
    %convert_element_type3A_117 = arith.fptosi %broadcast_in_dim3A_116 : vector<512x1xf32> to vector<512x1xi32>
    %jit3A_118 = arith.constant 0x7F800000 : f32
    %broadcast_in_dim3A_119 = vector.broadcast %jit3A_118 : f32 to vector<512x4096xf32>
    %select_n3A_120 = arith.select %eq3A_110, %broadcast_in_dim3A_119, %select_n3A_105 : vector<512x4096xi1>, vector<512x4096xf32>
    %reduce_min3A_121 = arith.constant dense<0x7F800000> : vector<512xf32>
    %reduce_min3A_122 = vector.multi_reduction <minimumf>, %select_n3A_120, %reduce_min3A_121 [1] : vector<512x4096xf32> to vector<512xf32>
    %broadcast_in_dim3A_123 = vector.shape_cast %reduce_min3A_122 : vector<512xf32> to vector<512x1xf32>
    %eq3A_124 = vector.broadcast %broadcast_in_dim3A_123 : vector<512x1xf32> to vector<512x4096xf32>
    %eq3A_125 = arith.cmpf oeq, %select_n3A_120, %eq3A_124 : vector<512x4096xf32>
    %jit3A_126 = arith.constant 4.096000e+03 : f32
    %broadcast_in_dim3A_127 = vector.broadcast %jit3A_126 : f32 to vector<512x4096xf32>
    %select_n3A_128 = arith.select %eq3A_125, %convert_element_type3A, %broadcast_in_dim3A_127 : vector<512x4096xi1>, vector<512x4096xf32>
    %reduce_min3A_129 = arith.constant dense<0x7F800000> : vector<512xf32>
    %reduce_min3A_130 = vector.multi_reduction <minimumf>, %select_n3A_128, %reduce_min3A_129 [1] : vector<512x4096xf32> to vector<512xf32>
    %broadcast_in_dim3A_131 = vector.shape_cast %reduce_min3A_130 : vector<512xf32> to vector<512x1xf32>
    %convert_element_type3A_132 = arith.fptosi %broadcast_in_dim3A_131 : vector<512x1xf32> to vector<512x1xi32>
    %jit3A_133 = arith.constant 0x7F800000 : f32
    %broadcast_in_dim3A_134 = vector.broadcast %jit3A_133 : f32 to vector<512x4096xf32>
    %select_n3A_135 = arith.select %eq3A_125, %broadcast_in_dim3A_134, %select_n3A_120 : vector<512x4096xi1>, vector<512x4096xf32>
    %reduce_min3A_136 = arith.constant dense<0x7F800000> : vector<512xf32>
    %reduce_min3A_137 = vector.multi_reduction <minimumf>, %select_n3A_135, %reduce_min3A_136 [1] : vector<512x4096xf32> to vector<512xf32>
    %broadcast_in_dim3A_138 = vector.shape_cast %reduce_min3A_137 : vector<512xf32> to vector<512x1xf32>
    %eq3A_139 = vector.broadcast %broadcast_in_dim3A_138 : vector<512x1xf32> to vector<512x4096xf32>
    %eq3A_140 = arith.cmpf oeq, %select_n3A_135, %eq3A_139 : vector<512x4096xf32>
    %jit3A_141 = arith.constant 4.096000e+03 : f32
    %broadcast_in_dim3A_142 = vector.broadcast %jit3A_141 : f32 to vector<512x4096xf32>
    %select_n3A_143 = arith.select %eq3A_140, %convert_element_type3A, %broadcast_in_dim3A_142 : vector<512x4096xi1>, vector<512x4096xf32>
    %reduce_min3A_144 = arith.constant dense<0x7F800000> : vector<512xf32>
    %reduce_min3A_145 = vector.multi_reduction <minimumf>, %select_n3A_143, %reduce_min3A_144 [1] : vector<512x4096xf32> to vector<512xf32>
    %broadcast_in_dim3A_146 = vector.shape_cast %reduce_min3A_145 : vector<512xf32> to vector<512x1xf32>
    %convert_element_type3A_147 = arith.fptosi %broadcast_in_dim3A_146 : vector<512x1xf32> to vector<512x1xi32>
    %jit3A_148 = arith.constant 0x7F800000 : f32
    %broadcast_in_dim3A_149 = vector.broadcast %jit3A_148 : f32 to vector<512x4096xf32>
    %select_n3A_150 = arith.select %eq3A_140, %broadcast_in_dim3A_149, %select_n3A_135 : vector<512x4096xi1>, vector<512x4096xf32>
    %reduce_min3A_151 = arith.constant dense<0x7F800000> : vector<512xf32>
    %reduce_min3A_152 = vector.multi_reduction <minimumf>, %select_n3A_150, %reduce_min3A_151 [1] : vector<512x4096xf32> to vector<512xf32>
    %broadcast_in_dim3A_153 = vector.shape_cast %reduce_min3A_152 : vector<512xf32> to vector<512x1xf32>
    %eq3A_154 = vector.broadcast %broadcast_in_dim3A_153 : vector<512x1xf32> to vector<512x4096xf32>
    %eq3A_155 = arith.cmpf oeq, %select_n3A_150, %eq3A_154 : vector<512x4096xf32>
    %jit3A_156 = arith.constant 4.096000e+03 : f32
    %broadcast_in_dim3A_157 = vector.broadcast %jit3A_156 : f32 to vector<512x4096xf32>
    %select_n3A_158 = arith.select %eq3A_155, %convert_element_type3A, %broadcast_in_dim3A_157 : vector<512x4096xi1>, vector<512x4096xf32>
    %reduce_min3A_159 = arith.constant dense<0x7F800000> : vector<512xf32>
    %reduce_min3A_160 = vector.multi_reduction <minimumf>, %select_n3A_158, %reduce_min3A_159 [1] : vector<512x4096xf32> to vector<512xf32>
    %broadcast_in_dim3A_161 = vector.shape_cast %reduce_min3A_160 : vector<512xf32> to vector<512x1xf32>
    %convert_element_type3A_162 = arith.fptosi %broadcast_in_dim3A_161 : vector<512x1xf32> to vector<512x1xi32>
    %jit3A_163 = arith.constant 0x7F800000 : f32
    %broadcast_in_dim3A_164 = vector.broadcast %jit3A_163 : f32 to vector<512x4096xf32>
    %select_n3A_165 = arith.select %eq3A_155, %broadcast_in_dim3A_164, %select_n3A_150 : vector<512x4096xi1>, vector<512x4096xf32>
    %reduce_min3A_166 = arith.constant dense<0x7F800000> : vector<512xf32>
    %reduce_min3A_167 = vector.multi_reduction <minimumf>, %select_n3A_165, %reduce_min3A_166 [1] : vector<512x4096xf32> to vector<512xf32>
    %broadcast_in_dim3A_168 = vector.shape_cast %reduce_min3A_167 : vector<512xf32> to vector<512x1xf32>
    %eq3A_169 = vector.broadcast %broadcast_in_dim3A_168 : vector<512x1xf32> to vector<512x4096xf32>
    %eq3A_170 = arith.cmpf oeq, %select_n3A_165, %eq3A_169 : vector<512x4096xf32>
    %jit3A_171 = arith.constant 4.096000e+03 : f32
    %broadcast_in_dim3A_172 = vector.broadcast %jit3A_171 : f32 to vector<512x4096xf32>
    %select_n3A_173 = arith.select %eq3A_170, %convert_element_type3A, %broadcast_in_dim3A_172 : vector<512x4096xi1>, vector<512x4096xf32>
    %reduce_min3A_174 = arith.constant dense<0x7F800000> : vector<512xf32>
    %reduce_min3A_175 = vector.multi_reduction <minimumf>, %select_n3A_173, %reduce_min3A_174 [1] : vector<512x4096xf32> to vector<512xf32>
    %broadcast_in_dim3A_176 = vector.shape_cast %reduce_min3A_175 : vector<512xf32> to vector<512x1xf32>
    %convert_element_type3A_177 = arith.fptosi %broadcast_in_dim3A_176 : vector<512x1xf32> to vector<512x1xi32>
    %concatenate3A = tpu.concatenate %convert_element_type3A_27, %convert_element_type3A_42, %convert_element_type3A_57, %convert_element_type3A_72, %convert_element_type3A_87, %convert_element_type3A_102, %convert_element_type3A_117, %convert_element_type3A_132, %convert_element_type3A_147, %convert_element_type3A_162, %convert_element_type3A_177 in 1 : vector<512x1xi32>, vector<512x1xi32>, vector<512x1xi32>, vector<512x1xi32>, vector<512x1xi32>, vector<512x1xi32>, vector<512x1xi32>, vector<512x1xi32>, vector<512x1xi32>, vector<512x1xi32>, vector<512x1xi32> -> vector<512x11xi32>
    %mul3A_178 = arith.constant 4096 : i32
    %mul3A_179 = arith.muli %arg0, %mul3A_178 : i32
    %add3A_180 = vector.broadcast %mul3A_179 : i32 to vector<512x11xi32>
    %add3A_181 = arith.addi %concatenate3A, %add3A_180 : vector<512x11xi32>
    %swap3A = arith.constant 0 : index
    %swap3A_182 = arith.constant 0 : index
    %swap3A_183 = arith.constant 0 : index
    %swap3A_184 = vector.load %arg4[%swap3A, %swap3A_182, %swap3A_183] : memref<1x512x11xi32, #tpu.memory_space<vmem>>, vector<1x512x11xi32>
    %swap3A_185 = vector.shape_cast %swap3A_184 : vector<1x512x11xi32> to vector<512x11xi32>
    %swap3A_186 = vector.shape_cast %add3A_181 : vector<512x11xi32> to vector<1x512x11xi32>
    tpu.vector_store %arg4[%swap3A, %swap3A_182, %swap3A_183], %swap3A_186 {strides = array<i32>} : memref<1x512x11xi32, #tpu.memory_space<vmem>>, vector<1x512x11xi32>,
    return
  }
  func.func @transform_0(%arg0: i32, %arg1: i32) -> (i32, i32, i32) {
    %c0_i32 = arith.constant 0 : i32
    %c0_i32_0 = arith.constant 0 : i32
    return %arg0, %arg1, %c0_i32 : i32, i32, i32
  }
  func.func @transform_1(%arg0: i32, %arg1: i32) -> (i32, i32, i32) {
    %c0_i32 = arith.constant 0 : i32
    %c0_i32_0 = arith.constant 0 : i32
    %c0_i32_1 = arith.constant 0 : i32
    return %arg0, %c0_i32, %c0_i32_0 : i32, i32, i32
  }
  func.func @transform_2(%arg0: i32, %arg1: i32) -> (i32, i32, i32) {
    %c0_i32 = arith.constant 0 : i32
    %c0_i32_0 = arith.constant 0 : i32
    return %arg0, %arg1, %c0_i32 : i32, i32, i32
  }
}

module attributes {stable_mosaic.version = 14 : i64} {
  func.func @_mlp_body(%arg0: i32, %arg1: i32, %arg2: memref<1x1024x88xf32, #tpu.memory_space<vmem>>, %arg3: memref<1x1024x3xf32, #tpu.memory_space<vmem>>, %arg4: memref<1x1x3xf32, #tpu.memory_space<vmem>>, %arg5: memref<32x66xf32, #tpu.memory_space<vmem>>, %arg6: memref<16x32xf32, #tpu.memory_space<vmem>>, %arg7: memref<6x16xf32, #tpu.memory_space<vmem>>, %arg8: memref<1x32xf32, #tpu.memory_space<vmem>>, %arg9: memref<1x16xf32, #tpu.memory_space<vmem>>, %arg10: memref<1x6xf32, #tpu.memory_space<vmem>>, %arg11: memref<88x66xf32, #tpu.memory_space<vmem>>, %arg12: memref<3x66xf32, #tpu.memory_space<vmem>>, %arg13: memref<3x6xf32, #tpu.memory_space<vmem>>, %arg14: memref<1x1024x6xf32, #tpu.memory_space<vmem>>) attributes {dimension_semantics = [#tpu.dimension_semantics<arbitrary>, #tpu.dimension_semantics<arbitrary>], iteration_bounds = array<i64: 4, 4>, scalar_prefetch = 0 : i64, scratch_operands = 0 : i64, tpu.core_type = #tpu.core_type<tc>, window_params = [{transform_indices = @transform_0, window_bounds = array<i64: 1, 1024, 88>}, {transform_indices = @transform_1, window_bounds = array<i64: 1, 1024, 3>}, {transform_indices = @transform_2, window_bounds = array<i64: 1, 1, 3>}, {pipeline_mode = #tpu.pipeline_mode<synchronous>, transform_indices = @transform_3, window_bounds = array<i64: 32, 66>}, {pipeline_mode = #tpu.pipeline_mode<synchronous>, transform_indices = @transform_4, window_bounds = array<i64: 16, 32>}, {pipeline_mode = #tpu.pipeline_mode<synchronous>, transform_indices = @transform_5, window_bounds = array<i64: 6, 16>}, {pipeline_mode = #tpu.pipeline_mode<synchronous>, transform_indices = @transform_6, window_bounds = array<i64: 1, 32>}, {pipeline_mode = #tpu.pipeline_mode<synchronous>, transform_indices = @transform_7, window_bounds = array<i64: 1, 16>}, {pipeline_mode = #tpu.pipeline_mode<synchronous>, transform_indices = @transform_8, window_bounds = array<i64: 1, 6>}, {pipeline_mode = #tpu.pipeline_mode<synchronous>, transform_indices = @transform_9, window_bounds = array<i64: 88, 66>}, {pipeline_mode = #tpu.pipeline_mode<synchronous>, transform_indices = @transform_10, window_bounds = array<i64: 3, 66>}, {pipeline_mode = #tpu.pipeline_mode<synchronous>, transform_indices = @transform_11, window_bounds = array<i64: 3, 6>}, {transform_indices = @transform_12, window_bounds = array<i64: 1, 1024, 6>}]} {
    %get3A = arith.constant 0 : index
    %get3A_0 = arith.constant 0 : index
    %get3A_1 = vector.load %arg7[%get3A, %get3A_0] : memref<6x16xf32, #tpu.memory_space<vmem>>, vector<6x16xf32>
    %get3A_2 = arith.constant 0 : index
    %get3A_3 = arith.constant 0 : index
    %get3A_4 = vector.load %arg6[%get3A_2, %get3A_3] : memref<16x32xf32, #tpu.memory_space<vmem>>, vector<16x32xf32>
    %dot_general3A = arith.constant dense<0.000000e+00> : vector<6x32xf32>
    %dot_general3A_5 = tpu.matmul %get3A_1, %get3A_4, %dot_general3A {dimension_numbers = #tpu.dot_dimension_numbers<[1], [0], [0], [1], [0, 0, 1, 1], [], []>, precision = #tpu.contract_precision<fp32>, transpose_lhs_hint = false} : vector<6x16xf32>, vector<16x32xf32>, vector<6x32xf32> -> vector<6x32xf32>
    %get3A_6 = arith.constant 0 : index
    %get3A_7 = arith.constant 0 : index
    %get3A_8 = vector.load %arg5[%get3A_6, %get3A_7] : memref<32x66xf32, #tpu.memory_space<vmem>>, vector<32x66xf32>
    %dot_general3A_9 = arith.constant dense<0.000000e+00> : vector<6x66xf32>
    %dot_general3A_10 = tpu.matmul %dot_general3A_5, %get3A_8, %dot_general3A_9 {dimension_numbers = #tpu.dot_dimension_numbers<[1], [0], [0], [1], [0, 0, 1, 1], [], []>, precision = #tpu.contract_precision<fp32>, transpose_lhs_hint = false} : vector<6x32xf32>, vector<32x66xf32>, vector<6x66xf32> -> vector<6x66xf32>
    %get3A_11 = arith.constant 0 : index
    %get3A_12 = arith.constant 0 : index
    %get3A_13 = vector.load %arg11[%get3A_11, %get3A_12] : memref<88x66xf32, #tpu.memory_space<vmem>>, vector<88x66xf32>
    %dot_general3A_14 = arith.constant dense<0.000000e+00> : vector<88x6xf32>
    %dot_general3A_15 = tpu.matmul %get3A_13, %dot_general3A_10, %dot_general3A_14 {dimension_numbers = #tpu.dot_dimension_numbers<[1], [1], [0], [0], [0, 0, 1, 0], [], []>, precision = #tpu.contract_precision<fp32>, transpose_lhs_hint = false} : vector<88x66xf32>, vector<6x66xf32>, vector<88x6xf32> -> vector<88x6xf32>
    %get3A_16 = arith.constant 0 : index
    %get3A_17 = arith.constant 0 : index
    %get3A_18 = vector.load %arg12[%get3A_16, %get3A_17] : memref<3x66xf32, #tpu.memory_space<vmem>>, vector<3x66xf32>
    %dot_general3A_19 = arith.constant dense<0.000000e+00> : vector<3x6xf32>
    %dot_general3A_20 = tpu.matmul %get3A_18, %dot_general3A_10, %dot_general3A_19 {dimension_numbers = #tpu.dot_dimension_numbers<[1], [1], [0], [0], [0, 0, 1, 0], [], []>, precision = #tpu.contract_precision<fp32>, transpose_lhs_hint = false} : vector<3x66xf32>, vector<6x66xf32>, vector<3x6xf32> -> vector<3x6xf32>
    %get3A_21 = arith.constant 0 : index
    %get3A_22 = arith.constant 0 : index
    %get3A_23 = vector.load %arg13[%get3A_21, %get3A_22] : memref<3x6xf32, #tpu.memory_space<vmem>>, vector<3x6xf32>
    %add3A = arith.addf %dot_general3A_20, %get3A_23 : vector<3x6xf32>
    %get3A_24 = arith.constant 0 : index
    %get3A_25 = arith.constant 0 : index
    %get3A_26 = vector.load %arg9[%get3A_24, %get3A_25] : memref<1x16xf32, #tpu.memory_space<vmem>>, vector<1x16xf32>
    %get3A_27 = arith.constant 0 : index
    %get3A_28 = arith.constant 0 : index
    %get3A_29 = vector.load %arg7[%get3A_27, %get3A_28] : memref<6x16xf32, #tpu.memory_space<vmem>>, vector<6x16xf32>
    %dot_general3A_30 = arith.constant dense<0.000000e+00> : vector<1x6xf32>
    %dot_general3A_31 = tpu.matmul %get3A_26, %get3A_29, %dot_general3A_30 {dimension_numbers = #tpu.dot_dimension_numbers<[1], [1], [0], [0], [0, 0, 1, 0], [], []>, precision = #tpu.contract_precision<fp32>, transpose_lhs_hint = false} : vector<1x16xf32>, vector<6x16xf32>, vector<1x6xf32> -> vector<1x6xf32>
    %get3A_32 = arith.constant 0 : index
    %get3A_33 = arith.constant 0 : index
    %get3A_34 = vector.load %arg8[%get3A_32, %get3A_33] : memref<1x32xf32, #tpu.memory_space<vmem>>, vector<1x32xf32>
    %dot_general3A_35 = arith.constant dense<0.000000e+00> : vector<1x6xf32>
    %dot_general3A_36 = tpu.matmul %get3A_34, %dot_general3A_5, %dot_general3A_35 {dimension_numbers = #tpu.dot_dimension_numbers<[1], [1], [0], [0], [0, 0, 1, 0], [], []>, precision = #tpu.contract_precision<fp32>, transpose_lhs_hint = false} : vector<1x32xf32>, vector<6x32xf32>, vector<1x6xf32> -> vector<1x6xf32>
    %add3A_37 = arith.addf %dot_general3A_31, %dot_general3A_36 : vector<1x6xf32>
    %get3A_38 = arith.constant 0 : index
    %get3A_39 = arith.constant 0 : index
    %get3A_40 = vector.load %arg10[%get3A_38, %get3A_39] : memref<1x6xf32, #tpu.memory_space<vmem>>, vector<1x6xf32>
    %add3A_41 = arith.addf %add3A_37, %get3A_40 : vector<1x6xf32>
    %get3A_42 = arith.constant 0 : index
    %get3A_43 = arith.constant 0 : index
    %get3A_44 = arith.constant 0 : index
    %get3A_45 = vector.load %arg4[%get3A_42, %get3A_43, %get3A_44] : memref<1x1x3xf32, #tpu.memory_space<vmem>>, vector<1x1x3xf32>
    %get3A_46 = vector.shape_cast %get3A_45 : vector<1x1x3xf32> to vector<1x3xf32>
    %slice3A = vector.extract_strided_slice %dot_general3A_10 {offsets = [0, 63], sizes = [6, 3], strides = [1, 1]} : vector<6x66xf32> to vector<6x3xf32>
    %dot_general3A_47 = arith.constant dense<0.000000e+00> : vector<1x6xf32>
    %dot_general3A_48 = tpu.matmul %get3A_46, %slice3A, %dot_general3A_47 {dimension_numbers = #tpu.dot_dimension_numbers<[1], [1], [0], [0], [0, 0, 1, 0], [], []>, precision = #tpu.contract_precision<fp32>, transpose_lhs_hint = false} : vector<1x3xf32>, vector<6x3xf32>, vector<1x6xf32> -> vector<1x6xf32>
    %add3A_49 = arith.addf %dot_general3A_48, %add3A_41 : vector<1x6xf32>
    %get3A_50 = arith.constant 0 : index
    %get3A_51 = arith.constant 0 : index
    %get3A_52 = arith.constant 0 : index
    %get3A_53 = vector.load %arg2[%get3A_50, %get3A_51, %get3A_52] : memref<1x1024x88xf32, #tpu.memory_space<vmem>>, vector<1x1024x88xf32>
    %get3A_54 = vector.shape_cast %get3A_53 : vector<1x1024x88xf32> to vector<1024x88xf32>
    %dot_general3A_55 = arith.constant dense<0.000000e+00> : vector<1024x6xf32>
    %dot_general3A_56 = tpu.matmul %get3A_54, %dot_general3A_15, %dot_general3A_55 {dimension_numbers = #tpu.dot_dimension_numbers<[1], [0], [0], [1], [0, 0, 1, 1], [], []>, precision = #tpu.contract_precision<fp32>, transpose_lhs_hint = false} : vector<1024x88xf32>, vector<88x6xf32>, vector<1024x6xf32> -> vector<1024x6xf32>
    %get3A_57 = arith.constant 0 : index
    %get3A_58 = arith.constant 0 : index
    %get3A_59 = arith.constant 0 : index
    %get3A_60 = vector.load %arg3[%get3A_57, %get3A_58, %get3A_59] : memref<1x1024x3xf32, #tpu.memory_space<vmem>>, vector<1x1024x3xf32>
    %get3A_61 = vector.shape_cast %get3A_60 : vector<1x1024x3xf32> to vector<1024x3xf32>
    %dot_general3A_62 = arith.constant dense<0.000000e+00> : vector<1024x6xf32>
    %dot_general3A_63 = tpu.matmul %get3A_61, %add3A, %dot_general3A_62 {dimension_numbers = #tpu.dot_dimension_numbers<[1], [0], [0], [1], [0, 0, 1, 1], [], []>, precision = #tpu.contract_precision<fp32>, transpose_lhs_hint = false} : vector<1024x3xf32>, vector<3x6xf32>, vector<1024x6xf32> -> vector<1024x6xf32>
    %add3A_64 = arith.addf %dot_general3A_56, %dot_general3A_63 : vector<1024x6xf32>
    %add3A_65 = vector.broadcast %add3A_49 : vector<1x6xf32> to vector<1024x6xf32>
    %add3A_66 = arith.addf %add3A_64, %add3A_65 : vector<1024x6xf32>
    %swap3A = arith.constant 0 : index
    %swap3A_67 = arith.constant 0 : index
    %swap3A_68 = arith.constant 0 : index
    %swap3A_69 = vector.load %arg14[%swap3A, %swap3A_67, %swap3A_68] : memref<1x1024x6xf32, #tpu.memory_space<vmem>>, vector<1x1024x6xf32>
    %swap3A_70 = vector.shape_cast %swap3A_69 : vector<1x1024x6xf32> to vector<1024x6xf32>
    %swap3A_71 = vector.shape_cast %add3A_66 : vector<1024x6xf32> to vector<1x1024x6xf32>
    tpu.vector_store %arg14[%swap3A, %swap3A_67, %swap3A_68], %swap3A_71 {strides = array<i32>} : memref<1x1024x6xf32, #tpu.memory_space<vmem>>, vector<1x1024x6xf32>,
    return
  }
  func.func @transform_0(%arg0: i32, %arg1: i32) -> (i32, i32, i32) {
    %c0_i32 = arith.constant 0 : i32
    %c0_i32_0 = arith.constant 0 : i32
    return %arg0, %arg1, %c0_i32 : i32, i32, i32
  }
  func.func @transform_1(%arg0: i32, %arg1: i32) -> (i32, i32, i32) {
    %c0_i32 = arith.constant 0 : i32
    %c0_i32_0 = arith.constant 0 : i32
    return %arg0, %arg1, %c0_i32 : i32, i32, i32
  }
  func.func @transform_2(%arg0: i32, %arg1: i32) -> (i32, i32, i32) {
    %c0_i32 = arith.constant 0 : i32
    %c0_i32_0 = arith.constant 0 : i32
    %c0_i32_1 = arith.constant 0 : i32
    return %arg0, %c0_i32, %c0_i32_0 : i32, i32, i32
  }
  func.func @transform_3(%arg0: i32, %arg1: i32) -> (i32, i32) {
    %c0_i32 = arith.constant 0 : i32
    %c0_i32_0 = arith.constant 0 : i32
    %c0_i32_1 = arith.constant 0 : i32
    return %c0_i32, %c0_i32_0 : i32, i32
  }
  func.func @transform_4(%arg0: i32, %arg1: i32) -> (i32, i32) {
    %c0_i32 = arith.constant 0 : i32
    %c0_i32_0 = arith.constant 0 : i32
    %c0_i32_1 = arith.constant 0 : i32
    return %c0_i32, %c0_i32_0 : i32, i32
  }
  func.func @transform_5(%arg0: i32, %arg1: i32) -> (i32, i32) {
    %c0_i32 = arith.constant 0 : i32
    %c0_i32_0 = arith.constant 0 : i32
    %c0_i32_1 = arith.constant 0 : i32
    return %c0_i32, %c0_i32_0 : i32, i32
  }
  func.func @transform_6(%arg0: i32, %arg1: i32) -> (i32, i32) {
    %c0_i32 = arith.constant 0 : i32
    %c0_i32_0 = arith.constant 0 : i32
    %c0_i32_1 = arith.constant 0 : i32
    return %c0_i32, %c0_i32_0 : i32, i32
  }
  func.func @transform_7(%arg0: i32, %arg1: i32) -> (i32, i32) {
    %c0_i32 = arith.constant 0 : i32
    %c0_i32_0 = arith.constant 0 : i32
    %c0_i32_1 = arith.constant 0 : i32
    return %c0_i32, %c0_i32_0 : i32, i32
  }
  func.func @transform_8(%arg0: i32, %arg1: i32) -> (i32, i32) {
    %c0_i32 = arith.constant 0 : i32
    %c0_i32_0 = arith.constant 0 : i32
    %c0_i32_1 = arith.constant 0 : i32
    return %c0_i32, %c0_i32_0 : i32, i32
  }
  func.func @transform_9(%arg0: i32, %arg1: i32) -> (i32, i32) {
    %c0_i32 = arith.constant 0 : i32
    %c0_i32_0 = arith.constant 0 : i32
    %c0_i32_1 = arith.constant 0 : i32
    return %c0_i32, %c0_i32_0 : i32, i32
  }
  func.func @transform_10(%arg0: i32, %arg1: i32) -> (i32, i32) {
    %c0_i32 = arith.constant 0 : i32
    %c0_i32_0 = arith.constant 0 : i32
    %c0_i32_1 = arith.constant 0 : i32
    return %c0_i32, %c0_i32_0 : i32, i32
  }
  func.func @transform_11(%arg0: i32, %arg1: i32) -> (i32, i32) {
    %c0_i32 = arith.constant 0 : i32
    %c0_i32_0 = arith.constant 0 : i32
    %c0_i32_1 = arith.constant 0 : i32
    return %c0_i32, %c0_i32_0 : i32, i32
  }
  func.func @transform_12(%arg0: i32, %arg1: i32) -> (i32, i32, i32) {
    %c0_i32 = arith.constant 0 : i32
    %c0_i32_0 = arith.constant 0 : i32
    return %arg0, %arg1, %c0_i32 : i32, i32, i32
  }
}

</mosaic_0001>

<sc_bundles>
// kernel: kernel.5.cloned.1.call-start
scs
__scs_entry_jumppad:
0x0: {  	(pc) =	sbr.rel $0x88, $3  }
0x1: {  	(tag) =	ssettag $0x0;
	lr =	simm.s32 $0x1  }
0x2: {  	[smem:$0x3F98] =	sst lr;
	_ =	strace $0xD0000000  }
0x3: {  	_ = 	snop  }
0x4: {  	_ = 	snop  }
0x5: {  	_ = 	snop  }
0x6: {  	_ = 	snop  }
0x7: {  	_ = 	snop  }
__scs_overlays_trampoline_lowered:
0x8: {  	[smem:$0x3FA7] =	sst s0  }
0x9: {  	[smem:$0x3FA8] =	sst s1  }
0xa: {  	[smem:$0x3FA9] =	sst s2  }
0xb: {  	[smem:$0x3FAA] =	sst s3  }
0xc: {  	[smem:$0x3FAB] =	sst s4  }
0xd: {  	[smem:$0x3FAC] =	sst s5  }
0xe: {  	[smem:$0x3FAD] =	sst s6  }
0xf: {  	[smem:$0x3FAE] =	sst s7  }
0x10: {  	[smem:$0x3FAF] =	sst s8  }
0x11: {  	[smem:$0x3FB0] =	sst s9;
	s0 =	simm.s32 @!p0 $0x0  }
0x12: {  	s1 =	sld [smem:$0x3F96];
	s0 =	simm.s32 @p0 $0x1  }
0x13: {  	[smem:$0x3FB1] =	sst s0;
	s0 =	simm.s32 @!p1 $0x0  }
0x14: {  	s2 =	sld [smem:$0x3F95];
	s0 =	simm.s32 @p1 $0x1  }
0x15: {  	[smem:$0x3FB2] =	sst s0;
	s0 =	simm.s32 @!p2 $0x0  }
0x16: {  	s3 =	sld [smem:$0x3FDB];
	s0 =	simm.s32 @p2 $0x1  }
0x17: {  	s4 =	simm.s32 $0x1BF5;
	[smem:$0x3FB4] =	sst s0  }
0x18: {  	s0 =	sld [smem:$0x3F97];
	_ =	swait.ge [sflag:s4], $0x0  }
0x19: {  	s7 =	sld [smem:$0x3F98]  }
0x1a: {  	s8 =	sadd.s32 $0xFFFFE003, lr  }
0x1b: {  	s9 =	sadd.s32 $0xFFFFFEF7, lr;
	s5 =	simm.s32 $0xFFFFFFFF;
	p2 =	slt.u32 s8, $0xFFFFF086  }
0x1c: {  	p1 =	slt.u32 s9, $0xF7A;
	s5 =	simm.s32 @!p2 $0x0  }
0x1d: {  	s5 =	simm.s32 @p1 $0x1;
	p0 =	seq.s32 s7, s2  }
0x1e: {  	s7 =	smul.u32 @!p0 $0xF7A, s2;
	p2 =	seq.s32 @!p0 s5, $0x0  }
0x1f: {  	s9 =	smul.u32 $0xF7A, s1;
	s8 =	simm.s32 @!p0 $0x1BF5;
	p2 =	por !p2, p0  }
0x20: {  	[sflag:s8] =	ssyncset.s32 @!p0 $0xFFFFF086;
	s6 =	sadd.s32 @!p0 s3, s7;
	s7 =	simm.s32 @!p0 $0x108  }
0x21: {  	s3 =	sadd.s32 s3, s9;
	s6 =	sadd.s32 @!p0 $0x88, s6;
	s7 =	simm.s32 @p2 $0x1082  }
0x22: {  	[simem:s7], [sflag:s8] =	dma.local @!p0 [hbm:s6], $0xF7A  }
0x23: {  	s9 =	sor.u32 $0xD0000000, s2;
	s6 =	simm.s32 $0x108;
	_ =	swait.ge @!p0 [sflag:s8], $0x0  }
0x24: {  	s3 =	sadd.s32 $0x88, s3;
	s6 =	simm.s32 @!p1 $0x1082;
	[sflag:s4] =	ssyncset.s32 $0xFFFFF086  }
0x25: {  	[simem:s6], [sflag:s4] =	dma.local [hbm:s3], $0xF7A  }
0x26: {  	[smem:$0x3F98] =	sst s1;
	(tag) =	ssettag s2;
	_ =	strace s9  }
0x27: {  	s1 =	sld [smem:$0x3FA8]  }
0x28: {  	s2 =	sld [smem:$0x3FA9]  }
0x29: {  	s4 =	sld [smem:$0x3FAB]  }
0x2a: {  	p0 =	seq.s32 s5, $0x0;
	s5 =	sld [smem:$0x3FAC]  }
0x2b: {  	s6 =	sld [smem:$0x3FAD]  }
0x2c: {  	s7 =	sld [smem:$0x3FAE]  }
0x2d: {  	s3 =	simm.s32 $0x108;
	s8 =	sld [smem:$0x3FAF]  }
0x2e: {  	s3 =	simm.s32 @!p0 $0x1082;
	s9 =	sld [smem:$0x3FB0]  }
0x2f: {  	lr =	sadd.s32 s0, s3;
	s0 =	sld [smem:$0x3FA7]  }
0x30: {  	s3 =	sld [smem:$0x3FAA]  }
0x31: {  	[smem:$0x3FB3] =	sst s10  }
0x32: {  	s10 =	sld [smem:$0x3FB1];
	_ =	sdelay $0x3  }
0x33: {  	p0 =	seq.s32 s10, $0x1;
	s10 =	sld [smem:$0x3FB3];
	_ =	sdelay $0x3  }
0x34: {  	[smem:$0x3FB3] =	sst s10  }
0x35: {  	s10 =	sld [smem:$0x3FB2];
	_ =	sdelay $0x3  }
0x36: {  	p1 =	seq.s32 s10, $0x1;
	s10 =	sld [smem:$0x3FB3];
	_ =	sdelay $0x3  }
0x37: {  	[smem:$0x3FB3] =	sst s10  }
0x38: {  	s10 =	sld [smem:$0x3FB4]  }
0x39: {  	_ = 	snop;
	(pc) =	sbr.ind lr, $3  }
0x3a: {  	_ = 	snop  }
0x3b: {  	_ = 	snop  }
0x3c: {  	p2 =	seq.s32 s10, $0x1;
	s10 =	sld [smem:$0x3FB3]  }
0x3d: {  	_ =	shalt  }
0x3e: {  	_ =	shalt  }
0x3f: {  	_ =	shalt  }
0x40: {  	_ =	shalt  }
0x41: {  	_ =	shalt  }
0x42: {  	_ =	shalt  }
0x43: {  	_ =	shalt  }
0x44: {  	_ =	shalt  }
0x45: {  	_ =	shalt  }
0x46: {  	_ =	shalt  }
0x47: {  	_ =	shalt  }
0x48: {  	_ =	shalt  }
0x49: {  	_ =	shalt  }
0x4a: {  	_ =	shalt  }
0x4b: {  	_ =	shalt  }
0x4c: {  	_ =	shalt  }
0x4d: {  	_ =	shalt  }
0x4e: {  	_ =	shalt  }
0x4f: {  	_ =	shalt  }
0x50: {  	_ =	shalt  }
0x51: {  	_ =	shalt  }
0x52: {  	_ =	shalt  }
0x53: {  	_ =	shalt  }
0x54: {  	_ =	shalt  }
0x55: {  	_ =	shalt  }
0x56: {  	_ =	shalt  }
0x57: {  	_ =	shalt  }
0x58: {  	_ =	shalt  }
0x59: {  	_ =	shalt  }
0x5a: {  	_ =	shalt  }
0x5b: {  	_ =	shalt  }
0x5c: {  	_ =	shalt  }
0x5d: {  	_ =	shalt  }
0x5e: {  	_ =	shalt  }
0x5f: {  	_ =	shalt  }
0x60: {  	_ =	shalt  }
0x61: {  	_ =	shalt  }
0x62: {  	_ =	shalt  }
0x63: {  	_ =	shalt  }
0x64: {  	_ =	shalt  }
0x65: {  	_ =	shalt  }
0x66: {  	_ =	shalt  }
0x67: {  	_ =	shalt  }
0x68: {  	_ =	shalt  }
0x69: {  	_ =	shalt  }
0x6a: {  	_ =	shalt  }
0x6b: {  	_ =	shalt  }
0x6c: {  	_ =	shalt  }
0x6d: {  	_ =	shalt  }
0x6e: {  	_ =	shalt  }
0x6f: {  	_ =	shalt  }
0x70: {  	_ =	shalt  }
0x71: {  	_ =	shalt  }
0x72: {  	_ =	shalt  }
0x73: {  	_ =	shalt  }
0x74: {  	_ =	shalt  }
0x75: {  	_ =	shalt  }
0x76: {  	_ =	shalt  }
0x77: {  	_ =	shalt  }
0x78: {  	_ =	shalt  }
0x79: {  	_ =	shalt  }
0x7a: {  	_ =	shalt  }
0x7b: {  	_ =	shalt  }
0x7c: {  	_ =	shalt  }
0x7d: {  	_ =	shalt  }
0x7e: {  	_ =	shalt  }
0x7f: {  	_ =	shalt  }
0x80: {  	_ =	shalt  }
0x81: {  	_ =	shalt  }
0x82: {  	_ =	shalt  }
0x83: {  	_ =	shalt  }
0x84: {  	_ =	shalt  }
0x85: {  	_ =	shalt  }
0x86: {  	_ =	shalt  }
0x87: {  	_ =	shalt  }
.Lfunc_end0:
.L_simem_size_0:
called_computation_lowered:
.L_overlay_start_0:
0x88: {  	s2 =	sld [smem:$0x3FD9]  }
0x89: {  	s3 =	sld [smem:$0x3FFE];
	_ =	sdelay $0x1  }
0x8a: {  	s1 =	srdreg.scid  }
0x8b: {  	s0 =	sand.u32 $0x1, s1  }
0x8c: {  	s16 =	sshll.u32 s0, $0xA;
	s2 =	sadd.s32 s3, s2  }
0x8d: {  	s2 =	sadd.s32 s2, s16  }
0x8e: {  	[smem:$0x3FBF] =	sst s2  }
0x8f: {  	_ = 	snop  }
0x90: {  	(tm) =	ssettm $0x1  }
0x91: {  	s17 =	sld [smem:$0x3FFB];
	_ =	sdelay $0x3  }
0x92: {  	_ =	strace s17  }
0x93: {  	s2 =	sld [smem:$0x3FFC];
	_ =	sdelay $0x3  }
0x94: {  	_ =	strace s2  }
0x95: {  	s2 =	sld [smem:$0x3FFD];
	_ =	sdelay $0x3  }
0x96: {  	_ =	strace s2  }
0x97: {  	_ =	strace $0x8FFFFFFF  }
0x98: {  	s18 =	sld [smem:$0x3FDB];
	_ =	sdelay $0x1  }
0x99: {  	s19 =	simm.s32 $_scs_section_size  }
0x9a: {  	s4 =	simm.s32 $_size__tile_overlayer_lowered;
	s5 =	simm.s32 $_tile_overlayer_lowered  }
0x9b: {  	s22 =	simm.s32 $0x1BFF;
	s21 =	sshll.u32 s5, $0x1;
	s2 =	sadd.s32 s19, s18  }
0x9c: {  	s6 =	simm.s32 $0x0;
	s20 =	sshll.u32 s4, $0x1;
	s4 =	sadd.s32 s21, s2  }
0x9d: {  	[timem:s6], [sflag:s22] =	dma.local [hbm:s4], s20  }
0x9e: {  	_ =	swait.ge [sflag:s22], s20  }
0x9f: {  	s3 =	ssub.s32 $0x0, s20;
	[sflag:s22] =	ssyncset.done $0x0  }
0xa0: {  	[sflag:s22] =	ssyncadd.s32 s3;
	_ =	sdelay $0x1  }
0xa1: {  	s23 =	simm.s32 $0x1B8B  }
0xa2: {  	_ =	swait.ge [sflag:s23], $0x1  }
0xa3: {  	[sflag:s23] =	ssyncset.done $0x0  }
0xa4: {  	s25 =	simm.s32 $0x1B8E;
	s24 =	sld [smem:$0x3FFE];
	[sflag:s23] =	ssyncadd.s32 $0xFFFFFFFF  }
0xa5: {  	s26 =	simm.s32 $execute0_lowered;
	[smem:$0x3FD2] =	sst s25  }
0xa6: {  	s4 =	sshll.u32 s26, $0x1;
	_ =	strace $0x80000046;
	[dreg:$0x1] =	wrdreg $0xFFFFFFFF  }
0xa7: {  	s28 =	simm.s32 $_size_execute0_lowered;
	s2 =	sadd.s32 s2, s4;
	[dreg:$0x0] =	wrdreg $0x0  }
0xa8: {  	s4 =	sshll.u32 s28, $0x1;
	[dreg:$0x2] =	wrdreg s2  }
0xa9: {  	[dreg:$0x3] =	wrdreg s4  }
0xaa: {  	[dreg:$0x4] =	wrdreg $0xC0  }
0xab: {  	_ =	task [dreg:s6], $0x5FFFF  }
0xac: {  	[dreg:$0x1] =	wrdreg $0xFFFFFFFF  }
0xad: {  	[dreg:$0x0] =	wrdreg $0x60  }
0xae: {  	[dreg:$0x2] =	wrdreg s24  }
0xaf: {  	[dreg:$0x3] =	wrdreg $0x9  }
0xb0: {  	_ =	task.clear_ibuf [dreg:s6], $0x4FFFF;
	_ =	strace $0x90000046  }
0xb1: {  	s29 =	simm.s32 $0x9;
	_ =	strace $0x80000048  }
0xb2: {  	_ =	swait.ge [sflag:s29], $0x1  }
0xb3: {  	[sflag:s29] =	ssyncadd.s32 $0xFFFFFFFF  }
0xb4: {  	_ =	strace $0x90000048  }
0xb5: {  	_ =	sfence  }
0xb6: {  	s30 =	sld [smem:$0x0];
	_ =	sdelay $0x2  }
0xb7: {  	s31 =	sshll.u32 s1, $0xD;
	s1 =	sshrl.u32 s1, $0x2  }
0xb8: {  	s3 =	sand.u32 $0x4000, s31;
	s1 =	sadd.s32 s1, s30  }
0xb9: {  	s0 =	sor.u32 s3, s0;
	s1 =	sshll.u32 s1, $0x11  }
0xba: {  	s0 =	sor.u32 s1, s0  }
0xbb: {  	s0 =	sadd.s32 $0x8F2B, s0  }
0xbc: {  	[sflag:s0] =	ssyncadd.remote.s32 $0x1  }
0xbd: {  	_ =	sfence.sel $0xFFFF  }
0xbe: {  	[dreg:$0x0] =	wrdreg $0xFFFFFFFF;
	(pc) =	sbr.abs _section_cstart, $3  }
0xbf: {  	[dreg:$0x1] =	wrdreg $0xFFFFFFFF  }
0xc0: {  	_ =	task.clear_ibuf [dreg:s6], $0x2FFFF;
	_ =	strace $0x9FFFFFFF  }
0xc1: {  	(tm) =	ssettm $0x7FFFFFFF  }
tec
execute0_lowered:
.L_overlay_start_1:
0x0: {  	(tag) =	ssettag $0x1  }
0x1: {  	s2 =	stileid.u32  }
0x2: {  	s4 =	rddreg [dreg:$0x0];
	s9 =	sshll.u32 s2, $0x1;
	s2 =	simm.s32 $0x0  }
0x3: {  	s10 =	simm.s32 $0x1A00;
	[smem:$0x7FF] =	sst s2  }
0x4: {  	s11 =	simm.s32 $0x100;
	_ =	strace $0x80000047;
	[dreg:$0x4] =	wrdreg s10  }
0x5: {  	s12 =	simm.s32 $0x1E00;
	[dreg:$0x5] =	wrdreg s11  }
0x6: {  	s13 =	simm.s32 $0x180;
	[dreg:$0x6] =	wrdreg s12  }
0x7: {  	s14 =	simm.s32 $0x2200;
	[dreg:$0x7] =	wrdreg s13  }
0x8: {  	s15 =	simm.s32 $0x200;
	[dreg:$0x8] =	wrdreg s14  }
0x9: {  	s16 =	simm.s32 $0x2600;
	[dreg:$0x9] =	wrdreg s15  }
0xa: {  	s17 =	simm.s32 $0x280;
	[dreg:$0xa] =	wrdreg s16  }
0xb: {  	s18 =	simm.s32 $0x2A00;
	[dreg:$0xb] =	wrdreg s17  }
0xc: {  	s19 =	simm.s32 $0x300;
	[dreg:$0xc] =	wrdreg s18  }
0xd: {  	s20 =	simm.s32 $0x2E00;
	[dreg:$0xd] =	wrdreg s19  }
0xe: {  	s21 =	simm.s32 $0x380;
	[dreg:$0xe] =	wrdreg s20  }
0xf: {  	s22 =	simm.s32 $0x3200;
	[dreg:$0xf] =	wrdreg s21  }
0x10: {  	s23 =	simm.s32 $0x400;
	[dreg:$0x10] =	wrdreg s22  }
0x11: {  	s24 =	simm.s32 $0x3600;
	[dreg:$0x11] =	wrdreg s23  }
0x12: {  	s25 =	simm.s32 $0x480;
	[dreg:$0x12] =	wrdreg s24  }
0x13: {  	s26 =	simm.s32 $0x3A00;
	[dreg:$0x13] =	wrdreg s25  }
0x14: {  	s5 =	simm.s32 $0x3E00;
	[dreg:$0x14] =	wrdreg s26  }
0x15: {  	s6 =	simm.s32 $0x580;
	[dreg:$0x16] =	wrdreg s5  }
0x16: {  	s0 =	srdreg.scid;
	s7 =	simm.s32 $0x4200;
	[dreg:$0x17] =	wrdreg s6  }
0x17: {  	s8 =	simm.s32 $0x600;
	s1 =	sand.u32 $0x1, s0;
	[dreg:$0x18] =	wrdreg s7  }
0x18: {  	s0 =	sor.u32 s1, s9;
	s9 =	simm.s32 $0x4600;
	[dreg:$0x19] =	wrdreg s8  }
0x19: {  	[dreg:$0x1a] =	wrdreg s9;
	s10 =	simm.s32 $0x680  }
0x1a: {  	s11 =	simm.s32 $0x4A00;
	[dreg:$0x1b] =	wrdreg s10  }
0x1b: {  	s12 =	simm.s32 $0x700;
	[dreg:$0x1c] =	wrdreg s11  }
0x1c: {  	s13 =	simm.s32 $0x4E00;
	[dreg:$0x1d] =	wrdreg s12  }
0x1d: {  	s14 =	simm.s32 $0x780;
	[dreg:$0x1e] =	wrdreg s13  }
0x1e: {  	s15 =	simm.s32 $0x5200;
	[dreg:$0x1f] =	wrdreg s14  }
0x1f: {  	s16 =	simm.s32 $0x800;
	[smem:$0x7E0] =	sst s15  }
0x20: {  	s17 =	simm.s32 $0x5600;
	[smem:$0x7E1] =	sst s16  }
0x21: {  	s18 =	simm.s32 $0x880;
	[smem:$0x7DF] =	sst s17  }
0x22: {  	s19 =	simm.s32 $0x5A00;
	[smem:$0x7E2] =	sst s18  }
0x23: {  	s20 =	simm.s32 $0x900;
	[smem:$0x7DE] =	sst s19  }
0x24: {  	s21 =	simm.s32 $0x5E00;
	[smem:$0x7E4] =	sst s20  }
0x25: {  	s22 =	simm.s32 $0x980;
	[smem:$0x7E3] =	sst s21  }
0x26: {  	s23 =	simm.s32 $0x6200;
	[smem:$0x7E5] =	sst s22  }
0x27: {  	s24 =	simm.s32 $0xA00;
	[smem:$0x7DD] =	sst s23  }
0x28: {  	s25 =	simm.s32 $0x6600;
	[smem:$0x7E7] =	sst s24  }
0x29: {  	s26 =	simm.s32 $0xA80;
	[smem:$0x7E6] =	sst s25  }
0x2a: {  	s5 =	simm.s32 $0xB00;
	[smem:$0x7E8] =	sst s26  }
0x2b: {  	s6 =	simm.s32 $0x6E00;
	[smem:$0x7F0] =	sst s5  }
0x2c: {  	s7 =	simm.s32 $0xB80;
	[smem:$0x7F2] =	sst s6  }
0x2d: {  	s8 =	simm.s32 $0x7200;
	[smem:$0x7EE] =	sst s7  }
0x2e: {  	s9 =	simm.s32 $0xC00;
	[smem:$0x7EF] =	sst s8  }
0x2f: {  	[smem:$0x7EC] =	sst s9;
	s10 =	simm.s32 $0x7600  }
0x30: {  	s11 =	simm.s32 $0xC80;
	[smem:$0x7F1] =	sst s10  }
0x31: {  	s12 =	simm.s32 $0x7A00;
	[smem:$0x7F5] =	sst s11  }
0x32: {  	s13 =	simm.s32 $0xD00;
	[smem:$0x7F6] =	sst s12  }
0x33: {  	s14 =	simm.s32 $0x7E00;
	[smem:$0x7F7] =	sst s13  }
0x34: {  	s15 =	simm.s32 $0xD80;
	[smem:$0x7ED] =	sst s14  }
0x35: {  	s16 =	simm.s32 $0x8200;
	[smem:$0x7F8] =	sst s15  }
0x36: {  	s17 =	simm.s32 $0xE00;
	[smem:$0x7EB] =	sst s16  }
0x37: {  	s18 =	simm.s32 $0x8600;
	[smem:$0x7F9] =	sst s17  }
0x38: {  	s19 =	simm.s32 $0xE80;
	[smem:$0x7F4] =	sst s18  }
0x39: {  	s20 =	simm.s32 $0x8A00;
	[smem:$0x7FA] =	sst s19  }
0x3a: {  	s21 =	simm.s32 $0xF00;
	[smem:$0x7F3] =	sst s20  }
0x3b: {  	s22 =	simm.s32 $0x8E00;
	[smem:$0x7FB] =	sst s21  }
0x3c: {  	s3 =	smul.u32 $0x2C0, s0;
	s23 =	simm.s32 $0xF80;
	[smem:$0x7E9] =	sst s22  }
0x3d: {  	s0 =	smul.u32 $0x1600, s0;
	s24 =	simm.s32 $0x9200;
	[smem:$0x7FC] =	sst s23  }
0x3e: {  	s25 =	simm.s32 $0x1000;
	s3 =	sadd.s32 s3, s4;
	[smem:$0x7EA] =	sst s24  }
0x3f: {  	s0 =	sadd.s32 s0, s4;
	[smem:$0x7FD] =	sst s25;
	s3 =	sadd.s32 $0x45E00, s3  }
0x40: {  	s0 =	sadd.s32 $0x4B600, s0;
	[dreg:$0x2] =	wrdreg s3  }
0x41: {  	[dreg:$0x3] =	wrdreg s0;
	s3 =	simm.s32 $0x500  }
0x42: {  	[dreg:$0x15] =	wrdreg s3  }
0x43: {  	s3 =	simm.s32 $0x6A00;
	s5 =	rddreg [dreg:$0x2]  }
0x44: {  	[smem:$0x7DC] =	sst s3;
	s3 =	simm.s32 $0x2  }
0x45: {  	[tilespmem:s2], [sflag:$0x2] =	stream.linear.gather [hbm4b:s5+s2], $0x1600, $0x38;
	[tilespmem:$0xC600] =	vst v63  }
0x46: {  	_ =	swait.ge [sflag:s3], $0x1600  }
0x47: {  	s26 =	rddreg [dreg:$0x14]  }
0x48: {  	s6 =	rddreg [dreg:$0x7]  }
0x49: {  	s8 =	rddreg [dreg:$0x10]  }
0x4a: {  	s9 =	rddreg [dreg:$0xa]  }
0x4b: {  	s10 =	rddreg [dreg:$0x8]  }
0x4c: {  	s11 =	rddreg [dreg:$0xc]  }
0x4d: {  	s7 =	simm.s32 $0x80;
	s12 =	rddreg [dreg:$0x5]  }
0x4e: {  	s5 =	sadd.s32 $0x41E00, s4;
	[sflag:s3] =	ssyncset.done $0x0;
	s13 =	rddreg [dreg:$0x4]  }
0x4f: {  	s4 =	simm.s32 $0x1600;
	s14 =	rddreg [dreg:$0x6];
	[sflag:s3] =	ssyncadd.s32 $0xFFFFEA00  }
0x50: {  	[tilespmem:s4], [sflag:$0x1] =	stream.indirect.gather [hbm4b:s5+s7], $0x8, s2, s7, $0xb8;
	[tilespmem:$0xC600] =	vst v63  }
0x51: {  	s15 =	rddreg [dreg:$0x9]  }
0x52: {  	[tilespmem:s13], [sflag:$0x1] =	stream.indirect.gather [hbm4b:s5+s7], $0x8, s7, s7, $0xb8;
	[tilespmem:$0xC600] =	vst v63  }
0x53: {  	s16 =	rddreg [dreg:$0xb]  }
0x54: {  	[tilespmem:s14], [sflag:$0x1] =	stream.indirect.gather [hbm4b:s5+s7], $0x8, s12, s7, $0xb8;
	[tilespmem:$0xC600] =	vst v63  }
0x55: {  	s17 =	rddreg [dreg:$0xe]  }
0x56: {  	[tilespmem:s10], [sflag:$0x1] =	stream.indirect.gather [hbm4b:s5+s7], $0x8, s6, s7, $0xb8;
	[tilespmem:$0xC600] =	vst v63  }
0x57: {  	s18 =	rddreg [dreg:$0xd]  }
0x58: {  	[tilespmem:s9], [sflag:$0x1] =	stream.indirect.gather [hbm4b:s5+s7], $0x8, s15, s7, $0xb8;
	[tilespmem:$0xC600] =	vst v63  }
0x59: {  	s19 =	rddreg [dreg:$0xf]  }
0x5a: {  	[tilespmem:s11], [sflag:$0x1] =	stream.indirect.gather [hbm4b:s5+s7], $0x8, s16, s7, $0xb8;
	[tilespmem:$0xC600] =	vst v63  }
0x5b: {  	s20 =	rddreg [dreg:$0x12]  }
0x5c: {  	[tilespmem:s17], [sflag:$0x1] =	stream.indirect.gather [hbm4b:s5+s7], $0x8, s18, s7, $0xb8;
	[tilespmem:$0xC600] =	vst v63  }
0x5d: {  	s21 =	rddreg [dreg:$0x11]  }
0x5e: {  	[tilespmem:s8], [sflag:$0x1] =	stream.indirect.gather [hbm4b:s5+s7], $0x8, s19, s7, $0xb8;
	[tilespmem:$0xC600] =	vst v63  }
0x5f: {  	s22 =	rddreg [dreg:$0x13]  }
0x60: {  	[tilespmem:s20], [sflag:$0x1] =	stream.indirect.gather [hbm4b:s5+s7], $0x8, s21, s7, $0xb8;
	[tilespmem:$0xC600] =	vst v63  }
0x61: {  	s23 =	rddreg [dreg:$0x16]  }
0x62: {  	[tilespmem:s26], [sflag:$0x1] =	stream.indirect.gather [hbm4b:s5+s7], $0x8, s22, s7, $0xb8;
	[tilespmem:$0xC600] =	vst v63  }
0x63: {  	s24 =	rddreg [dreg:$0x15];
	s6 =	simm.s32 $0x1  }
0x64: {  	[tilespmem:s23], [sflag:$0x1] =	stream.indirect.gather [hbm4b:s5+s7], $0x8, s24, s7, $0xb8;
	[tilespmem:$0xC600] =	vst v63  }
0x65: {  	_ =	swait.ge [sflag:s6], $0x400  }
0x66: {  	[sflag:s6] =	ssyncset.done $0x0  }
0x67: {  	[sflag:s6] =	ssyncadd.s32 $0xFFFFFC00  }
0x68: {  	_ =	swait.ge [sflag:s6], $0x400  }
0x69: {  	[sflag:s6] =	ssyncset.done $0x0  }
0x6a: {  	[sflag:s6] =	ssyncadd.s32 $0xFFFFFC00  }
0x6b: {  	_ =	swait.ge [sflag:s6], $0x400  }
0x6c: {  	[sflag:s6] =	ssyncset.done $0x0  }
0x6d: {  	[sflag:s6] =	ssyncadd.s32 $0xFFFFFC00  }
0x6e: {  	_ =	swait.ge [sflag:s6], $0x400  }
0x6f: {  	[sflag:s6] =	ssyncset.done $0x0  }
0x70: {  	[sflag:s6] =	ssyncadd.s32 $0xFFFFFC00  }
0x71: {  	_ =	swait.ge [sflag:s6], $0x400  }
0x72: {  	[sflag:s6] =	ssyncset.done $0x0  }
0x73: {  	[sflag:s6] =	ssyncadd.s32 $0xFFFFFC00  }
0x74: {  	_ =	swait.ge [sflag:s6], $0x400  }
0x75: {  	[sflag:s6] =	ssyncset.done $0x0  }
0x76: {  	[sflag:s6] =	ssyncadd.s32 $0xFFFFFC00  }
0x77: {  	_ =	swait.ge [sflag:s6], $0x400  }
0x78: {  	[sflag:s6] =	ssyncset.done $0x0  }
0x79: {  	[sflag:s6] =	ssyncadd.s32 $0xFFFFFC00  }
0x7a: {  	_ =	swait.ge [sflag:s6], $0x400  }
0x7b: {  	[sflag:s6] =	ssyncset.done $0x0  }
0x7c: {  	[sflag:s6] =	ssyncadd.s32 $0xFFFFFC00  }
0x7d: {  	_ =	swait.ge [sflag:s6], $0x400  }
0x7e: {  	[sflag:s6] =	ssyncset.done $0x0  }
0x7f: {  	[sflag:s6] =	ssyncadd.s32 $0xFFFFFC00  }
0x80: {  	_ =	swait.ge [sflag:s6], $0x400  }
0x81: {  	[sflag:s6] =	ssyncset.done $0x0  }
0x82: {  	[sflag:s6] =	ssyncadd.s32 $0xFFFFFC00  }
0x83: {  	_ =	swait.ge [sflag:s6], $0x400  }
0x84: {  	s0 =	rddreg [dreg:$0x1e]  }
0x85: {  	s8 =	sld [smem:$0x7DC]  }
0x86: {  	s9 =	rddreg [dreg:$0x1d]  }
0x87: {  	s10 =	sld [smem:$0x7DD]  }
0x88: {  	s11 =	sld [smem:$0x7DE]  }
0x89: {  	s25 =	rddreg [dreg:$0x1a]  }
0x8a: {  	s13 =	rddreg [dreg:$0x1f]  }
0x8b: {  	s26 =	rddreg [dreg:$0x1c]  }
0x8c: {  	s20 =	rddreg [dreg:$0x17]  }
0x8d: {  	s21 =	rddreg [dreg:$0x19]  }
0x8e: {  	s17 =	rddreg [dreg:$0x18]  }
0x8f: {  	[sflag:s6] =	ssyncset.done $0x0;
	s18 =	sld [smem:$0x7DF]  }
0x90: {  	s19 =	rddreg [dreg:$0x1b];
	[sflag:s6] =	ssyncadd.s32 $0xFFFFFC00  }
0x91: {  	[tilespmem:s17], [sflag:$0x1] =	stream.indirect.gather [hbm4b:s5+s7], $0x8, s20, s7, $0xb8;
	[tilespmem:$0xC600] =	vst v63  }
0x92: {  	s22 =	sld [smem:$0x7E0]  }
0x93: {  	[tilespmem:s25], [sflag:$0x1] =	stream.indirect.gather [hbm4b:s5+s7], $0x8, s21, s7, $0xb8;
	[tilespmem:$0xC600] =	vst v63  }
0x94: {  	s23 =	sld [smem:$0x7E1]  }
0x95: {  	[tilespmem:s26], [sflag:$0x1] =	stream.indirect.gather [hbm4b:s5+s7], $0x8, s19, s7, $0xb8;
	[tilespmem:$0xC600] =	vst v63  }
0x96: {  	s24 =	sld [smem:$0x7E2]  }
0x97: {  	[tilespmem:s0], [sflag:$0x1] =	stream.indirect.gather [hbm4b:s5+s7], $0x8, s9, s7, $0xb8;
	[tilespmem:$0xC600] =	vst v63  }
0x98: {  	s14 =	sld [smem:$0x7E6]  }
0x99: {  	[tilespmem:s22], [sflag:$0x1] =	stream.indirect.gather [hbm4b:s5+s7], $0x8, s13, s7, $0xb8;
	[tilespmem:$0xC600] =	vst v63  }
0x9a: {  	s25 =	sld [smem:$0x7E3]  }
0x9b: {  	[tilespmem:s18], [sflag:$0x1] =	stream.indirect.gather [hbm4b:s5+s7], $0x8, s23, s7, $0xb8;
	[tilespmem:$0xC600] =	vst v63  }
0x9c: {  	s26 =	sld [smem:$0x7E4]  }
0x9d: {  	[tilespmem:s11], [sflag:$0x1] =	stream.indirect.gather [hbm4b:s5+s7], $0x8, s24, s7, $0xb8;
	[tilespmem:$0xC600] =	vst v63  }
0x9e: {  	s13 =	sld [smem:$0x7E5]  }
0x9f: {  	[tilespmem:s25], [sflag:$0x1] =	stream.indirect.gather [hbm4b:s5+s7], $0x8, s26, s7, $0xb8;
	[tilespmem:$0xC600] =	vst v63  }
0xa0: {  	s15 =	sld [smem:$0x7E7]  }
0xa1: {  	[tilespmem:s10], [sflag:$0x1] =	stream.indirect.gather [hbm4b:s5+s7], $0x8, s13, s7, $0xb8;
	[tilespmem:$0xC600] =	vst v63  }
0xa2: {  	s16 =	sld [smem:$0x7E8]  }
0xa3: {  	[tilespmem:s14], [sflag:$0x1] =	stream.indirect.gather [hbm4b:s5+s7], $0x8, s15, s7, $0xb8;
	[tilespmem:$0xC600] =	vst v63  }
0xa4: {  	_ = 	snop  }
0xa5: {  	[tilespmem:s8], [sflag:$0x1] =	stream.indirect.gather [hbm4b:s5+s7], $0x8, s16, s7, $0xb8;
	[tilespmem:$0xC600] =	vst v63  }
0xa6: {  	_ =	swait.ge [sflag:s6], $0x400  }
0xa7: {  	[sflag:s6] =	ssyncset.done $0x0  }
0xa8: {  	[sflag:s6] =	ssyncadd.s32 $0xFFFFFC00  }
0xa9: {  	_ =	swait.ge [sflag:s6], $0x400  }
0xaa: {  	[sflag:s6] =	ssyncset.done $0x0  }
0xab: {  	[sflag:s6] =	ssyncadd.s32 $0xFFFFFC00  }
0xac: {  	_ =	swait.ge [sflag:s6], $0x400  }
0xad: {  	[sflag:s6] =	ssyncset.done $0x0  }
0xae: {  	[sflag:s6] =	ssyncadd.s32 $0xFFFFFC00  }
0xaf: {  	_ =	swait.ge [sflag:s6], $0x400  }
0xb0: {  	[sflag:s6] =	ssyncset.done $0x0  }
0xb1: {  	[sflag:s6] =	ssyncadd.s32 $0xFFFFFC00  }
0xb2: {  	_ =	swait.ge [sflag:s6], $0x400  }
0xb3: {  	[sflag:s6] =	ssyncset.done $0x0  }
0xb4: {  	[sflag:s6] =	ssyncadd.s32 $0xFFFFFC00  }
0xb5: {  	_ =	swait.ge [sflag:s6], $0x400  }
0xb6: {  	[sflag:s6] =	ssyncset.done $0x0  }
0xb7: {  	[sflag:s6] =	ssyncadd.s32 $0xFFFFFC00  }
0xb8: {  	_ =	swait.ge [sflag:s6], $0x400  }
0xb9: {  	[sflag:s6] =	ssyncset.done $0x0  }
0xba: {  	[sflag:s6] =	ssyncadd.s32 $0xFFFFFC00  }
0xbb: {  	_ =	swait.ge [sflag:s6], $0x400  }
0xbc: {  	[sflag:s6] =	ssyncset.done $0x0  }
0xbd: {  	[sflag:s6] =	ssyncadd.s32 $0xFFFFFC00  }
0xbe: {  	_ =	swait.ge [sflag:s6], $0x400  }
0xbf: {  	[sflag:s6] =	ssyncset.done $0x0  }
0xc0: {  	[sflag:s6] =	ssyncadd.s32 $0xFFFFFC00  }
0xc1: {  	_ =	swait.ge [sflag:s6], $0x400  }
0xc2: {  	[sflag:s6] =	ssyncset.done $0x0  }
0xc3: {  	[sflag:s6] =	ssyncadd.s32 $0xFFFFFC00  }
0xc4: {  	_ =	swait.ge [sflag:s6], $0x400  }
0xc5: {  	s0 =	sld [smem:$0x7E9]  }
0xc6: {  	s8 =	sld [smem:$0x7EA]  }
0xc7: {  	s9 =	sld [smem:$0x7EB]  }
0xc8: {  	s17 =	sld [smem:$0x7EC]  }
0xc9: {  	s18 =	sld [smem:$0x7ED]  }
0xca: {  	s19 =	sld [smem:$0x7EE]  }
0xcb: {  	s20 =	sld [smem:$0x7EF]  }
0xcc: {  	s21 =	sld [smem:$0x7F0]  }
0xcd: {  	s22 =	sld [smem:$0x7F1]  }
0xce: {  	s23 =	sld [smem:$0x7F2]  }
0xcf: {  	[sflag:s6] =	ssyncset.done $0x0;
	s24 =	sld [smem:$0x7F3]  }
0xd0: {  	s25 =	sld [smem:$0x7F4];
	[sflag:s6] =	ssyncadd.s32 $0xFFFFFC00  }
0xd1: {  	[tilespmem:s23], [sflag:$0x1] =	stream.indirect.gather [hbm4b:s5+s7], $0x8, s21, s7, $0xb8;
	[tilespmem:$0xC600] =	vst v63  }
0xd2: {  	s26 =	sld [smem:$0x7F5]  }
0xd3: {  	[tilespmem:s20], [sflag:$0x1] =	stream.indirect.gather [hbm4b:s5+s7], $0x8, s19, s7, $0xb8;
	[tilespmem:$0xC600] =	vst v63  }
0xd4: {  	s16 =	sld [smem:$0x7F6]  }
0xd5: {  	[tilespmem:s22], [sflag:$0x1] =	stream.indirect.gather [hbm4b:s5+s7], $0x8, s17, s7, $0xb8;
	[tilespmem:$0xC600] =	vst v63  }
0xd6: {  	s19 =	sld [smem:$0x7F7]  }
0xd7: {  	[tilespmem:s16], [sflag:$0x1] =	stream.indirect.gather [hbm4b:s5+s7], $0x8, s26, s7, $0xb8;
	[tilespmem:$0xC600] =	vst v63  }
0xd8: {  	s20 =	sld [smem:$0x7F8]  }
0xd9: {  	[tilespmem:s18], [sflag:$0x1] =	stream.indirect.gather [hbm4b:s5+s7], $0x8, s19, s7, $0xb8;
	[tilespmem:$0xC600] =	vst v63  }
0xda: {  	s21 =	sld [smem:$0x7F9]  }
0xdb: {  	[tilespmem:s9], [sflag:$0x1] =	stream.indirect.gather [hbm4b:s5+s7], $0x8, s20, s7, $0xb8;
	[tilespmem:$0xC600] =	vst v63  }
0xdc: {  	s22 =	sld [smem:$0x7FA]  }
0xdd: {  	[tilespmem:s25], [sflag:$0x1] =	stream.indirect.gather [hbm4b:s5+s7], $0x8, s21, s7, $0xb8;
	[tilespmem:$0xC600] =	vst v63  }
0xde: {  	s23 =	sld [smem:$0x7FB]  }
0xdf: {  	[tilespmem:s24], [sflag:$0x1] =	stream.indirect.gather [hbm4b:s5+s7], $0x8, s22, s7, $0xb8;
	[tilespmem:$0xC600] =	vst v63  }
0xe0: {  	s24 =	sld [smem:$0x7FC]  }
0xe1: {  	[tilespmem:s0], [sflag:$0x1] =	stream.indirect.gather [hbm4b:s5+s7], $0x8, s23, s7, $0xb8;
	[tilespmem:$0xC600] =	vst v63  }
0xe2: {  	s25 =	sld [smem:$0x7FD]  }
0xe3: {  	[tilespmem:s8], [sflag:$0x1] =	stream.indirect.gather [hbm4b:s5+s7], $0x8, s24, s7, $0xb8;
	[tilespmem:$0xC600] =	vst v63  }
0xe4: {  	s26 =	simm.s32 $0x9600  }
0xe5: {  	[tilespmem:s26], [sflag:$0x1] =	stream.indirect.gather [hbm4b:s5+s7], $0x8, s25, s7, $0xb8;
	[tilespmem:$0xC600] =	vst v63  }
0xe6: {  	_ =	swait.ge [sflag:s6], $0x400  }
0xe7: {  	[sflag:s6] =	ssyncset.done $0x0  }
0xe8: {  	[sflag:s6] =	ssyncadd.s32 $0xFFFFFC00  }
0xe9: {  	_ =	swait.ge [sflag:s6], $0x400  }
0xea: {  	[sflag:s6] =	ssyncset.done $0x0  }
0xeb: {  	[sflag:s6] =	ssyncadd.s32 $0xFFFFFC00  }
0xec: {  	_ =	swait.ge [sflag:s6], $0x400  }
0xed: {  	[sflag:s6] =	ssyncset.done $0x0  }
0xee: {  	[sflag:s6] =	ssyncadd.s32 $0xFFFFFC00  }
0xef: {  	_ =	swait.ge [sflag:s6], $0x400  }
0xf0: {  	[sflag:s6] =	ssyncset.done $0x0  }
0xf1: {  	[sflag:s6] =	ssyncadd.s32 $0xFFFFFC00  }
0xf2: {  	_ =	swait.ge [sflag:s6], $0x400  }
0xf3: {  	[sflag:s6] =	ssyncset.done $0x0  }
0xf4: {  	[sflag:s6] =	ssyncadd.s32 $0xFFFFFC00  }
0xf5: {  	_ =	swait.ge [sflag:s6], $0x400  }
0xf6: {  	[sflag:s6] =	ssyncset.done $0x0  }
0xf7: {  	[sflag:s6] =	ssyncadd.s32 $0xFFFFFC00  }
0xf8: {  	_ =	swait.ge [sflag:s6], $0x400  }
0xf9: {  	[sflag:s6] =	ssyncset.done $0x0  }
0xfa: {  	[sflag:s6] =	ssyncadd.s32 $0xFFFFFC00  }
0xfb: {  	_ =	swait.ge [sflag:s6], $0x400  }
0xfc: {  	[sflag:s6] =	ssyncset.done $0x0  }
0xfd: {  	[sflag:s6] =	ssyncadd.s32 $0xFFFFFC00  }
0xfe: {  	_ =	swait.ge [sflag:s6], $0x400  }
0xff: {  	[sflag:s6] =	ssyncset.done $0x0  }
0x100: {  	[sflag:s6] =	ssyncadd.s32 $0xFFFFFC00  }
0x101: {  	_ =	swait.ge [sflag:s6], $0x400  }
0x102: {  	[sflag:s6] =	ssyncset.done $0x0  }
0x103: {  	[sflag:s6] =	ssyncadd.s32 $0xFFFFFC00  }
0x104: {  	_ =	swait.ge [sflag:s6], $0x400  }
0x105: {  	[sflag:s6] =	ssyncset.done $0x0  }
0x106: {  	s9 =	simm.s32 $0x9A00;
	s8 =	simm.s32 $0x1080;
	[sflag:s6] =	ssyncadd.s32 $0xFFFFFC00  }
0x107: {  	[tilespmem:s9], [sflag:$0x1] =	stream.indirect.gather [hbm4b:s5+s7], $0x8, s8, s7, $0xb8;
	[tilespmem:$0xC600] =	vst v63  }
0x108: {  	s11 =	simm.s32 $0x9E00;
	s10 =	simm.s32 $0x1100  }
0x109: {  	[tilespmem:s11], [sflag:$0x1] =	stream.indirect.gather [hbm4b:s5+s7], $0x8, s10, s7, $0xb8;
	[tilespmem:$0xC600] =	vst v63  }
0x10a: {  	s12 =	simm.s32 $0x1180;
	s13 =	simm.s32 $0xA200  }
0x10b: {  	[tilespmem:s13], [sflag:$0x1] =	stream.indirect.gather [hbm4b:s5+s7], $0x8, s12, s7, $0xb8;
	[tilespmem:$0xC600] =	vst v63  }
0x10c: {  	s14 =	simm.s32 $0x1200;
	s15 =	simm.s32 $0xA600  }
0x10d: {  	[tilespmem:s15], [sflag:$0x1] =	stream.indirect.gather [hbm4b:s5+s7], $0x8, s14, s7, $0xb8;
	[tilespmem:$0xC600] =	vst v63  }
0x10e: {  	s17 =	simm.s32 $0xAA00;
	s16 =	simm.s32 $0x1280  }
0x10f: {  	[tilespmem:s17], [sflag:$0x1] =	stream.indirect.gather [hbm4b:s5+s7], $0x8, s16, s7, $0xb8;
	[tilespmem:$0xC600] =	vst v63  }
0x110: {  	s18 =	simm.s32 $0x1300;
	s19 =	simm.s32 $0xAE00  }
0x111: {  	[tilespmem:s19], [sflag:$0x1] =	stream.indirect.gather [hbm4b:s5+s7], $0x8, s18, s7, $0xb8;
	[tilespmem:$0xC600] =	vst v63  }
0x112: {  	s21 =	simm.s32 $0x1380;
	s22 =	simm.s32 $0xB200  }
0x113: {  	[tilespmem:s22], [sflag:$0x1] =	stream.indirect.gather [hbm4b:s5+s7], $0x8, s21, s7, $0xb8;
	[tilespmem:$0xC600] =	vst v63  }
0x114: {  	s23 =	simm.s32 $0x1400;
	s24 =	simm.s32 $0xB600  }
0x115: {  	[tilespmem:s24], [sflag:$0x1] =	stream.indirect.gather [hbm4b:s5+s7], $0x8, s23, s7, $0xb8;
	[tilespmem:$0xC600] =	vst v63  }
0x116: {  	s25 =	simm.s32 $0x1480;
	s26 =	simm.s32 $0xBA00  }
0x117: {  	[tilespmem:s26], [sflag:$0x1] =	stream.indirect.gather [hbm4b:s5+s7], $0x8, s25, s7, $0xb8;
	[tilespmem:$0xC600] =	vst v63  }
0x118: {  	s28 =	simm.s32 $0x1500;
	s29 =	simm.s32 $0xBE00;
	s20 =	ssub.s32 $0x2, s1  }
0x119: {  	[tilespmem:s29], [sflag:$0x1] =	stream.indirect.gather [hbm4b:s5+s7], $0x8, s28, s7, $0xb8;
	[tilespmem:$0xC600] =	vst v63  }
0x11a: {  	s30 =	simm.s32 $0x1580;
	s31 =	simm.s32 $0xC200;
	s1 =	sshrl.u32 s20, $0x1  }
0x11b: {  	[tilespmem:s31], [sflag:$0x1] =	stream.indirect.gather [hbm4b:s5+s7], $0x8, s30, s7, $0xb8;
	[tilespmem:$0xC600] =	vst v63  }
0x11c: {  	s0 =	ssub.s32 s20, s1;
	_ =	swait.ge [sflag:s6], $0x400  }
0x11d: {  	s0 =	smax.u32 s0, $0x1;
	[sflag:s6] =	ssyncset.done $0x0  }
0x11e: {  	p0 =	sne.s32 s0, $0x1;
	[sflag:s6] =	ssyncadd.s32 $0xFFFFFC00  }
.Ltmp0:
0x11f: {  	_ =	swait.ge [sflag:s6], $0x400;
	(pc) =	sbr.rel @!p0 .LBB2_2-.Ltmp0, $4  }
0x120: {  	[sflag:s6] =	ssyncset.done $0x0  }
0x121: {  	[sflag:s6] =	ssyncadd.s32 $0xFFFFFC00  }
0x122: {  	_ =	swait.ge [sflag:s6], $0x400  }
0x123: {  	s1 =	sadd.s32 $0xFFFFFFFF, s0;
	[sflag:s6] =	ssyncset.done $0x0  }
.LBB2_1:
0x124: {  	[sflag:s6] =	ssyncadd.s32 $0xFFFFFC00  }
0x125: {  	_ =	swait.ge [sflag:s6], $0x400  }
0x126: {  	[sflag:s6] =	ssyncset.done $0x0  }
0x127: {  	[sflag:s6] =	ssyncadd.s32 $0xFFFFFC00  }
0x128: {  	_ =	swait.ge [sflag:s6], $0x400  }
0x129: {  	[sflag:s6] =	ssyncset.done $0x0  }
0x12a: {  	[sflag:s6] =	ssyncadd.s32 $0xFFFFFC00  }
0x12b: {  	_ =	swait.ge [sflag:s6], $0x400  }
0x12c: {  	[sflag:s6] =	ssyncset.done $0x0  }
0x12d: {  	[sflag:s6] =	ssyncadd.s32 $0xFFFFFC00  }
0x12e: {  	_ =	swait.ge [sflag:s6], $0x400  }
0x12f: {  	[sflag:s6] =	ssyncset.done $0x0  }
0x130: {  	[sflag:s6] =	ssyncadd.s32 $0xFFFFFC00  }
0x131: {  	_ =	swait.ge [sflag:s6], $0x400  }
0x132: {  	[sflag:s6] =	ssyncset.done $0x0  }
0x133: {  	[sflag:s6] =	ssyncadd.s32 $0xFFFFFC00  }
0x134: {  	_ =	swait.ge [sflag:s6], $0x400  }
0x135: {  	[sflag:s6] =	ssyncset.done $0x0  }
0x136: {  	[sflag:s6] =	ssyncadd.s32 $0xFFFFFC00  }
0x137: {  	_ =	swait.ge [sflag:s6], $0x400  }
0x138: {  	[sflag:s6] =	ssyncset.done $0x0  }
0x139: {  	[sflag:s6] =	ssyncadd.s32 $0xFFFFFC00  }
0x13a: {  	_ =	swait.ge [sflag:s6], $0x400  }
0x13b: {  	[sflag:s6] =	ssyncset.done $0x0  }
0x13c: {  	s0 =	rddreg [dreg:$0x3];
	[sflag:s6] =	ssyncadd.s32 $0xFFFFFC00  }
0x13d: {  	[hbm4b:s0+s2] =	stream.linear.scatter [tilespmem:s4], [sflag:$0x2], $0xB000, $0x38;
	[tilespmem:$0xC600] =	vst v63  }
0x13e: {  	_ =	swait.ge [sflag:s3], $0xB000  }
0x13f: {  	[sflag:s3] =	ssyncset.done $0x0  }
0x140: {  	s17 =	rddreg [dreg:$0x2];
	[sflag:s3] =	ssyncadd.s32 $0xFFFF5000  }
0x141: {  	[tilespmem:s2], [sflag:$0x2] =	stream.linear.gather [hbm4b:s17+s2], $0x1600, $0x38;
	[tilespmem:$0xC600] =	vst v63  }
0x142: {  	_ =	swait.ge [sflag:s3], $0x1600  }
0x143: {  	s0 =	rddreg [dreg:$0x14]  }
0x144: {  	s8 =	rddreg [dreg:$0x7]  }
0x145: {  	s9 =	rddreg [dreg:$0x10]  }
0x146: {  	s10 =	rddreg [dreg:$0xa]  }
0x147: {  	s11 =	rddreg [dreg:$0x8]  }
0x148: {  	s12 =	rddreg [dreg:$0xc]  }
0x149: {  	s13 =	rddreg [dreg:$0x5]  }
0x14a: {  	[sflag:s3] =	ssyncset.done $0x0;
	s14 =	rddreg [dreg:$0x4]  }
0x14b: {  	s15 =	rddreg [dreg:$0x6];
	[sflag:s3] =	ssyncadd.s32 $0xFFFFEA00  }
0x14c: {  	[tilespmem:s4], [sflag:$0x1] =	stream.indirect.gather [hbm4b:s5+s7], $0x8, s2, s7, $0xb8;
	[tilespmem:$0xC600] =	vst v63  }
0x14d: {  	s16 =	rddreg [dreg:$0x9]  }
0x14e: {  	[tilespmem:s14], [sflag:$0x1] =	stream.indirect.gather [hbm4b:s5+s7], $0x8, s7, s7, $0xb8;
	[tilespmem:$0xC600] =	vst v63  }
0x14f: {  	s17 =	rddreg [dreg:$0xb]  }
0x150: {  	[tilespmem:s15], [sflag:$0x1] =	stream.indirect.gather [hbm4b:s5+s7], $0x8, s13, s7, $0xb8;
	[tilespmem:$0xC600] =	vst v63  }
0x151: {  	s18 =	rddreg [dreg:$0xe]  }
0x152: {  	[tilespmem:s11], [sflag:$0x1] =	stream.indirect.gather [hbm4b:s5+s7], $0x8, s8, s7, $0xb8;
	[tilespmem:$0xC600] =	vst v63  }
0x153: {  	s19 =	rddreg [dreg:$0xd]  }
0x154: {  	[tilespmem:s10], [sflag:$0x1] =	stream.indirect.gather [hbm4b:s5+s7], $0x8, s16, s7, $0xb8;
	[tilespmem:$0xC600] =	vst v63  }
0x155: {  	s20 =	rddreg [dreg:$0xf]  }
0x156: {  	[tilespmem:s12], [sflag:$0x1] =	stream.indirect.gather [hbm4b:s5+s7], $0x8, s17, s7, $0xb8;
	[tilespmem:$0xC600] =	vst v63  }
0x157: {  	s14 =	rddreg [dreg:$0x16]  }
0x158: {  	[tilespmem:s18], [sflag:$0x1] =	stream.indirect.gather [hbm4b:s5+s7], $0x8, s19, s7, $0xb8;
	[tilespmem:$0xC600] =	vst v63  }
0x159: {  	s11 =	rddreg [dreg:$0x12]  }
0x15a: {  	[tilespmem:s9], [sflag:$0x1] =	stream.indirect.gather [hbm4b:s5+s7], $0x8, s20, s7, $0xb8;
	[tilespmem:$0xC600] =	vst v63  }
0x15b: {  	s12 =	rddreg [dreg:$0x11]  }
0x15c: {  	[tilespmem:s11], [sflag:$0x1] =	stream.indirect.gather [hbm4b:s5+s7], $0x8, s12, s7, $0xb8;
	[tilespmem:$0xC600] =	vst v63  }
0x15d: {  	s13 =	rddreg [dreg:$0x13]  }
0x15e: {  	[tilespmem:s0], [sflag:$0x1] =	stream.indirect.gather [hbm4b:s5+s7], $0x8, s13, s7, $0xb8;
	[tilespmem:$0xC600] =	vst v63  }
0x15f: {  	s15 =	rddreg [dreg:$0x15]  }
0x160: {  	[tilespmem:s14], [sflag:$0x1] =	stream.indirect.gather [hbm4b:s5+s7], $0x8, s15, s7, $0xb8;
	[tilespmem:$0xC600] =	vst v63  }
0x161: {  	_ =	swait.ge [sflag:s6], $0x400  }
0x162: {  	[sflag:s6] =	ssyncset.done $0x0  }
0x163: {  	[sflag:s6] =	ssyncadd.s32 $0xFFFFFC00  }
0x164: {  	_ =	swait.ge [sflag:s6], $0x400  }
0x165: {  	[sflag:s6] =	ssyncset.done $0x0  }
0x166: {  	[sflag:s6] =	ssyncadd.s32 $0xFFFFFC00  }
0x167: {  	_ =	swait.ge [sflag:s6], $0x400  }
0x168: {  	[sflag:s6] =	ssyncset.done $0x0  }
0x169: {  	[sflag:s6] =	ssyncadd.s32 $0xFFFFFC00  }
0x16a: {  	_ =	swait.ge [sflag:s6], $0x400  }
0x16b: {  	[sflag:s6] =	ssyncset.done $0x0  }
0x16c: {  	[sflag:s6] =	ssyncadd.s32 $0xFFFFFC00  }
0x16d: {  	_ =	swait.ge [sflag:s6], $0x400  }
0x16e: {  	[sflag:s6] =	ssyncset.done $0x0  }
0x16f: {  	[sflag:s6] =	ssyncadd.s32 $0xFFFFFC00  }
0x170: {  	_ =	swait.ge [sflag:s6], $0x400  }
0x171: {  	[sflag:s6] =	ssyncset.done $0x0  }
0x172: {  	[sflag:s6] =	ssyncadd.s32 $0xFFFFFC00  }
0x173: {  	_ =	swait.ge [sflag:s6], $0x400  }
0x174: {  	[sflag:s6] =	ssyncset.done $0x0  }
0x175: {  	[sflag:s6] =	ssyncadd.s32 $0xFFFFFC00  }
0x176: {  	_ =	swait.ge [sflag:s6], $0x400  }
0x177: {  	[sflag:s6] =	ssyncset.done $0x0  }
0x178: {  	[sflag:s6] =	ssyncadd.s32 $0xFFFFFC00  }
0x179: {  	_ =	swait.ge [sflag:s6], $0x400  }
0x17a: {  	[sflag:s6] =	ssyncset.done $0x0  }
0x17b: {  	[sflag:s6] =	ssyncadd.s32 $0xFFFFFC00  }
0x17c: {  	_ =	swait.ge [sflag:s6], $0x400  }
0x17d: {  	[sflag:s6] =	ssyncset.done $0x0  }
0x17e: {  	[sflag:s6] =	ssyncadd.s32 $0xFFFFFC00  }
0x17f: {  	_ =	swait.ge [sflag:s6], $0x400  }
0x180: {  	s8 =	rddreg [dreg:$0x1e]  }
0x181: {  	s0 =	sld [smem:$0x7DC]  }
0x182: {  	s9 =	rddreg [dreg:$0x1d]  }
0x183: {  	s10 =	sld [smem:$0x7DD]  }
0x184: {  	s11 =	sld [smem:$0x7DE]  }
0x185: {  	s12 =	rddreg [dreg:$0x1a]  }
0x186: {  	s13 =	rddreg [dreg:$0x1f]  }
0x187: {  	s14 =	rddreg [dreg:$0x1c]  }
0x188: {  	s15 =	rddreg [dreg:$0x17]  }
0x189: {  	s16 =	rddreg [dreg:$0x19]  }
0x18a: {  	s17 =	rddreg [dreg:$0x18]  }
0x18b: {  	[sflag:s6] =	ssyncset.done $0x0;
	s18 =	sld [smem:$0x7DF]  }
0x18c: {  	s19 =	rddreg [dreg:$0x1b];
	[sflag:s6] =	ssyncadd.s32 $0xFFFFFC00  }
0x18d: {  	[tilespmem:s17], [sflag:$0x1] =	stream.indirect.gather [hbm4b:s5+s7], $0x8, s15, s7, $0xb8;
	[tilespmem:$0xC600] =	vst v63  }
0x18e: {  	s20 =	sld [smem:$0x7E0]  }
0x18f: {  	[tilespmem:s12], [sflag:$0x1] =	stream.indirect.gather [hbm4b:s5+s7], $0x8, s16, s7, $0xb8;
	[tilespmem:$0xC600] =	vst v63  }
0x190: {  	s15 =	sld [smem:$0x7E1]  }
0x191: {  	[tilespmem:s14], [sflag:$0x1] =	stream.indirect.gather [hbm4b:s5+s7], $0x8, s19, s7, $0xb8;
	[tilespmem:$0xC600] =	vst v63  }
0x192: {  	s17 =	sld [smem:$0x7E4]  }
0x193: {  	[tilespmem:s8], [sflag:$0x1] =	stream.indirect.gather [hbm4b:s5+s7], $0x8, s9, s7, $0xb8;
	[tilespmem:$0xC600] =	vst v63  }
0x194: {  	s12 =	sld [smem:$0x7E2]  }
0x195: {  	[tilespmem:s20], [sflag:$0x1] =	stream.indirect.gather [hbm4b:s5+s7], $0x8, s13, s7, $0xb8;
	[tilespmem:$0xC600] =	vst v63  }
0x196: {  	s16 =	sld [smem:$0x7E3]  }
0x197: {  	[tilespmem:s18], [sflag:$0x1] =	stream.indirect.gather [hbm4b:s5+s7], $0x8, s15, s7, $0xb8;
	[tilespmem:$0xC600] =	vst v63  }
0x198: {  	s19 =	sld [smem:$0x7E5]  }
0x199: {  	[tilespmem:s11], [sflag:$0x1] =	stream.indirect.gather [hbm4b:s5+s7], $0x8, s12, s7, $0xb8;
	[tilespmem:$0xC600] =	vst v63  }
0x19a: {  	s20 =	sld [smem:$0x7E6]  }
0x19b: {  	[tilespmem:s16], [sflag:$0x1] =	stream.indirect.gather [hbm4b:s5+s7], $0x8, s17, s7, $0xb8;
	[tilespmem:$0xC600] =	vst v63  }
0x19c: {  	s15 =	sld [smem:$0x7E7]  }
0x19d: {  	[tilespmem:s10], [sflag:$0x1] =	stream.indirect.gather [hbm4b:s5+s7], $0x8, s19, s7, $0xb8;
	[tilespmem:$0xC600] =	vst v63  }
0x19e: {  	s16 =	sld [smem:$0x7E8]  }
0x19f: {  	[tilespmem:s20], [sflag:$0x1] =	stream.indirect.gather [hbm4b:s5+s7], $0x8, s15, s7, $0xb8;
	[tilespmem:$0xC600] =	vst v63  }
0x1a0: {  	_ = 	snop  }
0x1a1: {  	[tilespmem:s0], [sflag:$0x1] =	stream.indirect.gather [hbm4b:s5+s7], $0x8, s16, s7, $0xb8;
	[tilespmem:$0xC600] =	vst v63  }
0x1a2: {  	_ =	swait.ge [sflag:s6], $0x400  }
0x1a3: {  	[sflag:s6] =	ssyncset.done $0x0  }
0x1a4: {  	[sflag:s6] =	ssyncadd.s32 $0xFFFFFC00  }
0x1a5: {  	_ =	swait.ge [sflag:s6], $0x400  }
0x1a6: {  	[sflag:s6] =	ssyncset.done $0x0  }
0x1a7: {  	[sflag:s6] =	ssyncadd.s32 $0xFFFFFC00  }
0x1a8: {  	_ =	swait.ge [sflag:s6], $0x400  }
0x1a9: {  	[sflag:s6] =	ssyncset.done $0x0  }
0x1aa: {  	[sflag:s6] =	ssyncadd.s32 $0xFFFFFC00  }
0x1ab: {  	_ =	swait.ge [sflag:s6], $0x400  }
0x1ac: {  	[sflag:s6] =	ssyncset.done $0x0  }
0x1ad: {  	[sflag:s6] =	ssyncadd.s32 $0xFFFFFC00  }
0x1ae: {  	_ =	swait.ge [sflag:s6], $0x400  }
0x1af: {  	[sflag:s6] =	ssyncset.done $0x0  }
0x1b0: {  	[sflag:s6] =	ssyncadd.s32 $0xFFFFFC00  }
0x1b1: {  	_ =	swait.ge [sflag:s6], $0x400  }
0x1b2: {  	[sflag:s6] =	ssyncset.done $0x0  }
0x1b3: {  	[sflag:s6] =	ssyncadd.s32 $0xFFFFFC00  }
0x1b4: {  	_ =	swait.ge [sflag:s6], $0x400  }
0x1b5: {  	[sflag:s6] =	ssyncset.done $0x0  }
0x1b6: {  	[sflag:s6] =	ssyncadd.s32 $0xFFFFFC00  }
0x1b7: {  	_ =	swait.ge [sflag:s6], $0x400  }
0x1b8: {  	[sflag:s6] =	ssyncset.done $0x0  }
0x1b9: {  	[sflag:s6] =	ssyncadd.s32 $0xFFFFFC00  }
0x1ba: {  	_ =	swait.ge [sflag:s6], $0x400  }
0x1bb: {  	[sflag:s6] =	ssyncset.done $0x0  }
0x1bc: {  	[sflag:s6] =	ssyncadd.s32 $0xFFFFFC00  }
0x1bd: {  	_ =	swait.ge [sflag:s6], $0x400  }
0x1be: {  	[sflag:s6] =	ssyncset.done $0x0  }
0x1bf: {  	[sflag:s6] =	ssyncadd.s32 $0xFFFFFC00  }
0x1c0: {  	_ =	swait.ge [sflag:s6], $0x400  }
0x1c1: {  	s8 =	sld [smem:$0x7E9]  }
0x1c2: {  	s9 =	sld [smem:$0x7EA]  }
0x1c3: {  	s10 =	sld [smem:$0x7EB]  }
0x1c4: {  	s11 =	sld [smem:$0x7EC]  }
0x1c5: {  	s12 =	sld [smem:$0x7ED]  }
0x1c6: {  	s13 =	sld [smem:$0x7EE]  }
0x1c7: {  	s14 =	sld [smem:$0x7EF]  }
0x1c8: {  	s17 =	sld [smem:$0x7F0]  }
0x1c9: {  	s16 =	sld [smem:$0x7F1]  }
0x1ca: {  	s20 =	sld [smem:$0x7F2]  }
0x1cb: {  	[sflag:s6] =	ssyncset.done $0x0;
	s18 =	sld [smem:$0x7F3]  }
0x1cc: {  	s19 =	sld [smem:$0x7F4];
	[sflag:s6] =	ssyncadd.s32 $0xFFFFFC00  }
0x1cd: {  	[tilespmem:s20], [sflag:$0x1] =	stream.indirect.gather [hbm4b:s5+s7], $0x8, s17, s7, $0xb8;
	[tilespmem:$0xC600] =	vst v63  }
0x1ce: {  	s15 =	sld [smem:$0x7F5]  }
0x1cf: {  	[tilespmem:s14], [sflag:$0x1] =	stream.indirect.gather [hbm4b:s5+s7], $0x8, s13, s7, $0xb8;
	[tilespmem:$0xC600] =	vst v63  }
0x1d0: {  	s17 =	sld [smem:$0x7F6]  }
0x1d1: {  	[tilespmem:s16], [sflag:$0x1] =	stream.indirect.gather [hbm4b:s5+s7], $0x8, s11, s7, $0xb8;
	[tilespmem:$0xC600] =	vst v63  }
0x1d2: {  	s20 =	sld [smem:$0x7F7]  }
0x1d3: {  	[tilespmem:s17], [sflag:$0x1] =	stream.indirect.gather [hbm4b:s5+s7], $0x8, s15, s7, $0xb8;
	[tilespmem:$0xC600] =	vst v63  }
0x1d4: {  	s14 =	sld [smem:$0x7F8]  }
0x1d5: {  	[tilespmem:s12], [sflag:$0x1] =	stream.indirect.gather [hbm4b:s5+s7], $0x8, s20, s7, $0xb8;
	[tilespmem:$0xC600] =	vst v63  }
0x1d6: {  	s15 =	sld [smem:$0x7F9]  }
0x1d7: {  	[tilespmem:s10], [sflag:$0x1] =	stream.indirect.gather [hbm4b:s5+s7], $0x8, s14, s7, $0xb8;
	[tilespmem:$0xC600] =	vst v63  }
0x1d8: {  	s16 =	sld [smem:$0x7FA]  }
0x1d9: {  	[tilespmem:s19], [sflag:$0x1] =	stream.indirect.gather [hbm4b:s5+s7], $0x8, s15, s7, $0xb8;
	[tilespmem:$0xC600] =	vst v63  }
0x1da: {  	s17 =	sld [smem:$0x7FB]  }
0x1db: {  	[tilespmem:s18], [sflag:$0x1] =	stream.indirect.gather [hbm4b:s5+s7], $0x8, s16, s7, $0xb8;
	[tilespmem:$0xC600] =	vst v63  }
0x1dc: {  	s19 =	sld [smem:$0x7FC]  }
0x1dd: {  	[tilespmem:s8], [sflag:$0x1] =	stream.indirect.gather [hbm4b:s5+s7], $0x8, s17, s7, $0xb8;
	[tilespmem:$0xC600] =	vst v63  }
0x1de: {  	s0 =	sld [smem:$0x7FD]  }
0x1df: {  	[tilespmem:s9], [sflag:$0x1] =	stream.indirect.gather [hbm4b:s5+s7], $0x8, s19, s7, $0xb8;
	[tilespmem:$0xC600] =	vst v63  }
0x1e0: {  	s20 =	simm.s32 $0x9600  }
0x1e1: {  	[tilespmem:s20], [sflag:$0x1] =	stream.indirect.gather [hbm4b:s5+s7], $0x8, s0, s7, $0xb8;
	[tilespmem:$0xC600] =	vst v63  }
0x1e2: {  	_ =	swait.ge [sflag:s6], $0x400  }
0x1e3: {  	[sflag:s6] =	ssyncset.done $0x0  }
0x1e4: {  	[sflag:s6] =	ssyncadd.s32 $0xFFFFFC00  }
0x1e5: {  	_ =	swait.ge [sflag:s6], $0x400  }
0x1e6: {  	[sflag:s6] =	ssyncset.done $0x0  }
0x1e7: {  	[sflag:s6] =	ssyncadd.s32 $0xFFFFFC00  }
0x1e8: {  	_ =	swait.ge [sflag:s6], $0x400  }
0x1e9: {  	[sflag:s6] =	ssyncset.done $0x0  }
0x1ea: {  	[sflag:s6] =	ssyncadd.s32 $0xFFFFFC00  }
0x1eb: {  	_ =	swait.ge [sflag:s6], $0x400  }
0x1ec: {  	[sflag:s6] =	ssyncset.done $0x0  }
0x1ed: {  	[sflag:s6] =	ssyncadd.s32 $0xFFFFFC00  }
0x1ee: {  	_ =	swait.ge [sflag:s6], $0x400  }
0x1ef: {  	[sflag:s6] =	ssyncset.done $0x0  }
0x1f0: {  	[sflag:s6] =	ssyncadd.s32 $0xFFFFFC00  }
0x1f1: {  	_ =	swait.ge [sflag:s6], $0x400  }
0x1f2: {  	[sflag:s6] =	ssyncset.done $0x0  }
0x1f3: {  	[sflag:s6] =	ssyncadd.s32 $0xFFFFFC00  }
0x1f4: {  	_ =	swait.ge [sflag:s6], $0x400  }
0x1f5: {  	[sflag:s6] =	ssyncset.done $0x0  }
0x1f6: {  	[sflag:s6] =	ssyncadd.s32 $0xFFFFFC00  }
0x1f7: {  	_ =	swait.ge [sflag:s6], $0x400  }
0x1f8: {  	[sflag:s6] =	ssyncset.done $0x0  }
0x1f9: {  	[sflag:s6] =	ssyncadd.s32 $0xFFFFFC00  }
0x1fa: {  	_ =	swait.ge [sflag:s6], $0x400  }
0x1fb: {  	[sflag:s6] =	ssyncset.done $0x0  }
0x1fc: {  	[sflag:s6] =	ssyncadd.s32 $0xFFFFFC00  }
0x1fd: {  	_ =	swait.ge [sflag:s6], $0x400  }
0x1fe: {  	[sflag:s6] =	ssyncset.done $0x0  }
0x1ff: {  	[sflag:s6] =	ssyncadd.s32 $0xFFFFFC00  }
0x200: {  	_ =	swait.ge [sflag:s6], $0x400  }
0x201: {  	[sflag:s6] =	ssyncset.done $0x0  }
0x202: {  	s10 =	simm.s32 $0x9A00;
	s9 =	simm.s32 $0x1080;
	[sflag:s6] =	ssyncadd.s32 $0xFFFFFC00  }
0x203: {  	[tilespmem:s10], [sflag:$0x1] =	stream.indirect.gather [hbm4b:s5+s7], $0x8, s9, s7, $0xb8;
	[tilespmem:$0xC600] =	vst v63  }
0x204: {  	s11 =	simm.s32 $0x1100;
	s12 =	simm.s32 $0x9E00  }
0x205: {  	[tilespmem:s12], [sflag:$0x1] =	stream.indirect.gather [hbm4b:s5+s7], $0x8, s11, s7, $0xb8;
	[tilespmem:$0xC600] =	vst v63  }
0x206: {  	s13 =	simm.s32 $0x1180;
	s14 =	simm.s32 $0xA200  }
0x207: {  	[tilespmem:s14], [sflag:$0x1] =	stream.indirect.gather [hbm4b:s5+s7], $0x8, s13, s7, $0xb8;
	[tilespmem:$0xC600] =	vst v63  }
0x208: {  	s15 =	simm.s32 $0x1200;
	s16 =	simm.s32 $0xA600  }
0x209: {  	[tilespmem:s16], [sflag:$0x1] =	stream.indirect.gather [hbm4b:s5+s7], $0x8, s15, s7, $0xb8;
	[tilespmem:$0xC600] =	vst v63  }
0x20a: {  	s18 =	simm.s32 $0xAA00;
	s17 =	simm.s32 $0x1280  }
0x20b: {  	[tilespmem:s18], [sflag:$0x1] =	stream.indirect.gather [hbm4b:s5+s7], $0x8, s17, s7, $0xb8;
	[tilespmem:$0xC600] =	vst v63  }
0x20c: {  	s19 =	simm.s32 $0x1300;
	s20 =	simm.s32 $0xAE00  }
0x20d: {  	[tilespmem:s20], [sflag:$0x1] =	stream.indirect.gather [hbm4b:s5+s7], $0x8, s19, s7, $0xb8;
	[tilespmem:$0xC600] =	vst v63  }
0x20e: {  	_ = 	snop  }
0x20f: {  	[tilespmem:s22], [sflag:$0x1] =	stream.indirect.gather [hbm4b:s5+s7], $0x8, s21, s7, $0xb8;
	[tilespmem:$0xC600] =	vst v63  }
0x210: {  	_ = 	snop  }
0x211: {  	[tilespmem:s24], [sflag:$0x1] =	stream.indirect.gather [hbm4b:s5+s7], $0x8, s23, s7, $0xb8;
	[tilespmem:$0xC600] =	vst v63  }
0x212: {  	_ = 	snop  }
0x213: {  	[tilespmem:s26], [sflag:$0x1] =	stream.indirect.gather [hbm4b:s5+s7], $0x8, s25, s7, $0xb8;
	[tilespmem:$0xC600] =	vst v63  }
0x214: {  	_ = 	snop  }
0x215: {  	[tilespmem:s29], [sflag:$0x1] =	stream.indirect.gather [hbm4b:s5+s7], $0x8, s28, s7, $0xb8;
	[tilespmem:$0xC600] =	vst v63  }
0x216: {  	_ = 	snop  }
0x217: {  	[tilespmem:s31], [sflag:$0x1] =	stream.indirect.gather [hbm4b:s5+s7], $0x8, s30, s7, $0xb8;
	[tilespmem:$0xC600] =	vst v63  }
0x218: {  	_ =	swait.ge [sflag:s6], $0x400  }
0x219: {  	[sflag:s6] =	ssyncset.done $0x0  }
0x21a: {  	p0 =	sne.s32 s1, $0x1;
	[sflag:s6] =	ssyncadd.s32 $0xFFFFFC00  }
.Ltmp1:
0x21b: {  	_ =	swait.ge [sflag:s6], $0x400;
	(pc) =	sbr.rel @p0 .LBB2_1-.Ltmp1, $4  }
0x21c: {  	[sflag:s6] =	ssyncset.done $0x0  }
0x21d: {  	[sflag:s6] =	ssyncadd.s32 $0xFFFFFC00  }
0x21e: {  	_ =	swait.ge [sflag:s6], $0x400  }
0x21f: {  	s1 =	sadd.s32 $0xFFFFFFFF, s1;
	[sflag:s6] =	ssyncset.done $0x0  }
.LBB2_2:
0x220: {  	[sflag:s6] =	ssyncadd.s32 $0xFFFFFC00  }
0x221: {  	_ =	swait.ge [sflag:s6], $0x400  }
0x222: {  	[sflag:s6] =	ssyncset.done $0x0  }
0x223: {  	[sflag:s6] =	ssyncadd.s32 $0xFFFFFC00  }
0x224: {  	_ =	swait.ge [sflag:s6], $0x400  }
0x225: {  	[sflag:s6] =	ssyncset.done $0x0  }
0x226: {  	[sflag:s6] =	ssyncadd.s32 $0xFFFFFC00  }
0x227: {  	_ =	swait.ge [sflag:s6], $0x400  }
0x228: {  	[sflag:s6] =	ssyncset.done $0x0  }
0x229: {  	[sflag:s6] =	ssyncadd.s32 $0xFFFFFC00  }
0x22a: {  	_ =	swait.ge [sflag:s6], $0x400  }
0x22b: {  	[sflag:s6] =	ssyncset.done $0x0  }
0x22c: {  	[sflag:s6] =	ssyncadd.s32 $0xFFFFFC00  }
0x22d: {  	_ =	swait.ge [sflag:s6], $0x400  }
0x22e: {  	[sflag:s6] =	ssyncset.done $0x0  }
0x22f: {  	[sflag:s6] =	ssyncadd.s32 $0xFFFFFC00  }
0x230: {  	_ =	swait.ge [sflag:s6], $0x400  }
0x231: {  	[sflag:s6] =	ssyncset.done $0x0  }
0x232: {  	[sflag:s6] =	ssyncadd.s32 $0xFFFFFC00  }
0x233: {  	_ =	swait.ge [sflag:s6], $0x400  }
0x234: {  	[sflag:s6] =	ssyncset.done $0x0  }
0x235: {  	[sflag:s6] =	ssyncadd.s32 $0xFFFFFC00  }
0x236: {  	_ =	swait.ge [sflag:s6], $0x400  }
0x237: {  	[sflag:s6] =	ssyncset.done $0x0  }
0x238: {  	s0 =	rddreg [dreg:$0x3];
	[sflag:s6] =	ssyncadd.s32 $0xFFFFFC00  }
0x239: {  	[hbm4b:s0+s2] =	stream.linear.scatter [tilespmem:s4], [sflag:$0x2], $0xB000, $0x38;
	[tilespmem:$0xC600] =	vst v63  }
0x23a: {  	_ =	swait.ge [sflag:s3], $0xB000  }
0x23b: {  	[sflag:s3] =	ssyncset.done $0x0  }
0x23c: {  	[sflag:s3] =	ssyncadd.s32 $0xFFFF5000  }
0x23d: {  	_ =	sfence.sel $0x180000  }
0x23e: {  	[bflag:$0x0] =	sbarrier.arrive $0xFFFF  }
0x23f: {  	_ =	strace $0x90000047  }
0x240: {  	s31 =	stileid.u32;
	[bflag:$0x2] =	sbarrier.arrive $0xFFFF  }
0x241: {  	p0 =	sne.s32 s31, $0x0;
	s0 =	rddreg [dreg:$0x1]  }
0x242: {  	s0 =	sadd.s32 @!p0 $0x100000, s0  }
0x243: {  	[sflag:s0] =	ssyncadd.tile.s32 @!p0 $0x1;
	_ =	shalt  }
.Lfunc_end2:
_tile_overlayer_lowered:
.L_overlay_start_2:
0x244: {  	(tag) =	ssettag $0x2  }
0x245: {  	s0 =	rddreg [dreg:$0x0];
	s2 =	stileid.u32  }
0x246: {  	s1 =	rddreg [dreg:$0x1];
	p0 =	sne.s32 s2, $0x0  }
0x247: {  	s3 =	rddreg [dreg:$0x2];
	[bflag:$0x3] =	sbarrier.arrive $0xFFFF;
	s2 =	simm.s32 @!p0 $0x1C02  }
0x248: {  	[timem:s3], [sflag:s2] =	dma.local @!p0 [hbm:s0], s1  }
0x249: {  	s0 =	simm.s32 @!p0 $0x2  }
0x24a: {  	_ =	swait.ge @!p0 [sflag:s0], s1  }
0x24b: {  	s1 =	ssub.s32 @!p0 $0x0, s1;
	[sflag:s0] =	ssyncset.done @!p0 $0x0  }
0x24c: {  	[sflag:s0] =	ssyncadd.s32 @!p0 s1  }
0x24d: {  	[bflag:$0x3] =	sbarrier.arrive $0xFFFF  }
0x24e: {  	_ =	shalt  }

</sc_bundles>
